<compile_context>
chip_gen: v7x
topology: tpu7x:2x2x1
jax: 0.10.2.dev20260603
libtpu: 0.0.44.dev20260713+nightly
codegen_flags: <defaults>
</compile_context>

<pallas_src>
import functools

import jax
import jax.numpy as jnp
from jax import lax
from jax.experimental import pallas as pl
from jax.experimental.pallas import tpu as pltpu
from jax.experimental.pallas import tpu_sc as plsc

B = 16384
F = 26
V = 100001
D = 16
C = 13
T = F + 2

NC, NS = 2, 16
NW = NC * NS
BPW = B // NW
NB = 128
NCHUNK = BPW // NB
NBF = NB * F
KI = NBF // 128


def _cont_tc_body(x_ref, w_ref, b_ref, fte_ref, o_ref):
    acc = lax.dot_general(x_ref[...], w_ref[...], (((1,), (1,)), ((), ())),
                          preferred_element_type=jnp.float32)
    o_ref[...] = acc + b_ref[...] + fte_ref[F:F + 1, :]


def _cont_token(x_cont, cont_W, cont_b, fte):
    blk = 512
    return pl.pallas_call(
        _cont_tc_body,
        grid=(B // blk,),
        in_specs=[
            pl.BlockSpec((blk, C), lambda i: (i, 0)),
            pl.BlockSpec((D, C), lambda i: (0, 0)),
            pl.BlockSpec((1, D), lambda i: (0, 0)),
            pl.BlockSpec((F + 1, D), lambda i: (0, 0)),
        ],
        out_specs=pl.BlockSpec((blk, D), lambda i: (i, 0)),
        out_shape=jax.ShapeDtypeStruct((B, D), jnp.float32),
    )(x_cont, cont_W, cont_b.reshape(1, D), fte)


def _sc_body(table, x1d, off1d, fte, cls_row, cont_tok, out,
             xb, ib, offv, ftev, clsv, gb, cb, ob, sem):
    wid = lax.axis_index("s") * NC + lax.axis_index("c")
    wb = wid * BPW

    pltpu.sync_copy(off1d, offv)
    pltpu.sync_copy(fte, ftev)
    pltpu.sync_copy(cls_row, clsv)

    ftes = [ftev[f] for f in range(F)]
    cls_vec = clsv[0]

    def chunk_body(c, _):
        b0 = wb + c * NB

        pltpu.sync_copy(x1d.at[pl.ds(b0 * F, NBF)], xb)
        pltpu.sync_copy(cont_tok.at[pl.ds(b0, NB)], cb)

        def idx_body(j, _):
            for i in range(8):
                s = pl.ds(j * 128 + i * 16, 16)
                ib[j, pl.ds(i * 16, 16)] = xb[s] + offv[s]
            return 0
        lax.fori_loop(0, KI, idx_body, 0)

        copies = [
            pltpu.async_copy(table.at[ib.at[j]],
                             gb.at[pl.ds(j * 128, 128)], sem)
            for j in range(KI)
        ]
        for cp in copies:
            cp.wait()

        def asm_body(b, _):
            g0 = b * F
            o0 = b * T
            ob[o0] = cls_vec
            for f in range(F):
                ob[o0 + 1 + f] = gb[g0 + f] + ftes[f]
            ob[o0 + F + 1] = cb[b]
            return 0
        lax.fori_loop(0, NB, asm_body, 0)

        pltpu.sync_copy(ob, out.at[pl.ds(b0 * T, NB * T)])
        return 0

    lax.fori_loop(0, NCHUNK, chunk_body, 0)


def kernel(x_cat, x_cont, cat_emb, feature_type_embed, cont_W, cont_b,
           cls_token):
    table = cat_emb.reshape(F * V, D)
    x1d = x_cat.astype(jnp.int32).reshape(B * F)
    off1d = jnp.tile(jnp.arange(F, dtype=jnp.int32) * V, NB)
    cls_row = cls_token.reshape(1, D)
    cont_tok = _cont_token(x_cont, cont_W, cont_b, feature_type_embed)

    mesh = plsc.VectorSubcoreMesh(core_axis_name="c", subcore_axis_name="s")
    sc = pl.kernel(
        _sc_body,
        out_type=jax.ShapeDtypeStruct((B * T, D), jnp.float32),
        mesh=mesh,
        compiler_params=pltpu.CompilerParams(use_tc_tiling_on_sc=False),
        scratch_types=[
            pltpu.VMEM((NBF,), jnp.int32),
            pltpu.VMEM((KI, 128), jnp.int32),
            pltpu.VMEM((NBF,), jnp.int32),
            pltpu.VMEM((F + 1, D), jnp.float32),
            pltpu.VMEM((1, D), jnp.float32),
            pltpu.VMEM((NBF, D), jnp.float32),
            pltpu.VMEM((NB, D), jnp.float32),
            pltpu.VMEM((NB * T, D), jnp.float32),
            pltpu.SemaphoreType.DMA,
        ],
    )
    out = sc(table, x1d, off1d, feature_type_embed, cls_row, cont_tok)
    return out.reshape(B, T, D)

# --- scband reference (transcript-rebuilt; emitter-appended) ---
"""Pipeline reference for scband-enhanced-embedding-43542378447263 (READ-ONLY COPY).

The authoritative reference and input builder live on the scoring server;
editing this copy changes nothing except your own understanding.
"""

import jax, jax.numpy as jnp
import numpy as np

B = 16384
F = 26          # number of categorical fields
V = 100001      # num_cat + 1 rows per table
D = 16          # embedding_dim
C = 13          # num_continuous


def setup_inputs(seed: int = 0) -> dict:
    key = jax.random.key(seed)
    ks = jax.random.split(key, 8)
    x_cat = jax.random.randint(ks[0], (B, F), 0, 100000)
    x_cont = jax.random.normal(ks[1], (B, C), dtype=jnp.float32)
    # learned parameters
    cat_emb = jax.random.normal(ks[2], (F, V, D), dtype=jnp.float32) * 0.02
    feature_type_embed = jax.random.normal(ks[3], (F + 1, D), dtype=jnp.float32) * 0.02
    cont_W = jax.random.normal(ks[4], (D, C), dtype=jnp.float32) * (1.0 / np.sqrt(C))
    cont_b = jnp.zeros((D,), dtype=jnp.float32)
    cls_token = jnp.zeros((1, 1, D), dtype=jnp.float32)
    return {"x_cat": x_cat, "x_cont": x_cont, "cat_emb": cat_emb,
            "feature_type_embed": feature_type_embed, "cont_W": cont_W,
            "cont_b": cont_b, "cls_token": cls_token}


def reference(x_cat, x_cont, cat_emb, feature_type_embed, cont_W, cont_b, cls_token):
    b = x_cat.shape[0]
    # per-field embedding lookup: stack over the F tables
    # cat_emb: [F, V, D], x_cat: [B, F] -> cat_tokens: [B, F, D]
    cat_tokens = jax.vmap(lambda tab, idx: jnp.take(tab, idx, axis=0),
                          in_axes=(0, 1), out_axes=1)(cat_emb, x_cat)
    # feature-type embedding for categorical positions
    type_idx_cat = jnp.arange(F)
    cat_tokens = cat_tokens + feature_type_embed[type_idx_cat][None, :, :]
    # continuous token via linear projection
    cont_token = (x_cont @ cont_W.T + cont_b)[:, None, :]  # [B, 1, D]
    cont_token = cont_token + feature_type_embed[F][None, None, :]
    tokens = jnp.concatenate([cat_tokens, cont_token], axis=1)
    cls_tokens = jnp.broadcast_to(cls_token, (b, 1, D))
    tokens = jnp.concatenate([cls_tokens, tokens], axis=1)  # [B, 1+F+1, D]
    return tokens

if __name__ == "__main__":
    import jax
    _d = setup_inputs()
    print(jax.jit(kernel)(*tuple(_d.values())))

</pallas_src>

<mosaic_0001>
#map = affine_map<(d0, d1) -> (0, 0)>
#map1 = affine_map<(d0, d1) -> (0)>
module attributes {stable_mosaic.version = 14 : i64} {
  func.func @_sc_body(%arg0: i32, %arg1: i32, %arg2: memref<2600026x16xf32, #tpu.memory_space<hbm>>, %arg3: memref<425984xi32, #tpu.memory_space<hbm>>, %arg4: memref<3328xi32, #tpu.memory_space<hbm>>, %arg5: memref<27x16xf32, #tpu.memory_space<hbm>>, %arg6: memref<1x16xf32, #tpu.memory_space<hbm>>, %arg7: memref<16384x16xf32, #tpu.memory_space<hbm>>, %arg8: memref<458752x16xf32, #tpu.memory_space<hbm>>, %arg9: memref<3328xi32, #tpu.memory_space<vmem>>, %arg10: memref<26x128xi32, #tpu.memory_space<vmem>>, %arg11: memref<3328xi32, #tpu.memory_space<vmem>>, %arg12: memref<27x16xf32, #tpu.memory_space<vmem>>, %arg13: memref<1x16xf32, #tpu.memory_space<vmem>>, %arg14: memref<3328x16xf32, #tpu.memory_space<vmem>>, %arg15: memref<128x16xf32, #tpu.memory_space<vmem>>, %arg16: memref<3584x16xf32, #tpu.memory_space<vmem>>, %arg17: memref<!tpu.dma_semaphore, #tpu.memory_space<semaphore_mem>>) attributes {dimension_semantics = [#tpu.dimension_semantics<core_parallel>, #tpu.dimension_semantics<subcore_parallel>], iteration_bounds = array<i64: 2, 16>, scalar_prefetch = 0 : i64, scratch_operands = 9 : i64, tpu.core_type = #tpu.core_type<sc_vector_subcore>, window_params = [{transform_indices = #map}, {transform_indices = #map1}, {transform_indices = #map1}, {transform_indices = #map}, {transform_indices = #map}, {transform_indices = #map}, {transform_indices = #map}]} {
    %mul3A = arith.constant 2 : i32
    %mul3A_0 = arith.muli %arg1, %mul3A : i32
    %add3A = arith.addi %mul3A_0, %arg0 : i32
    %mul3A_1 = arith.constant 512 : i32
    %mul3A_2 = arith.muli %add3A, %mul3A_1 : i32
    "tpu.region"() ({
      %run_scoped3A = tpu.sem_alloc : memref<!tpu.dma_semaphore, #tpu.memory_space<semaphore_mem>>
      tpu.enqueue_dma source(%arg4 : memref<3328xi32, #tpu.memory_space<hbm>>) target(%arg11 : memref<3328xi32, #tpu.memory_space<vmem>>) target_semaphore(%run_scoped3A : memref<!tpu.dma_semaphore, #tpu.memory_space<semaphore_mem>>)
      tpu.wait_dma2 semaphore(%run_scoped3A : memref<!tpu.dma_semaphore, #tpu.memory_space<semaphore_mem>>) src(%arg4 : memref<3328xi32, #tpu.memory_space<hbm>>) dst(%arg11 : memref<3328xi32, #tpu.memory_space<vmem>>)
      tpu.yield
    }) : () -> ()
    "tpu.region"() ({
      %run_scoped3A = tpu.sem_alloc : memref<!tpu.dma_semaphore, #tpu.memory_space<semaphore_mem>>
      tpu.enqueue_dma source(%arg5 : memref<27x16xf32, #tpu.memory_space<hbm>>) target(%arg12 : memref<27x16xf32, #tpu.memory_space<vmem>>) target_semaphore(%run_scoped3A : memref<!tpu.dma_semaphore, #tpu.memory_space<semaphore_mem>>)
      tpu.wait_dma2 semaphore(%run_scoped3A : memref<!tpu.dma_semaphore, #tpu.memory_space<semaphore_mem>>) src(%arg5 : memref<27x16xf32, #tpu.memory_space<hbm>>) dst(%arg12 : memref<27x16xf32, #tpu.memory_space<vmem>>)
      tpu.yield
    }) : () -> ()
    "tpu.region"() ({
      %run_scoped3A = tpu.sem_alloc : memref<!tpu.dma_semaphore, #tpu.memory_space<semaphore_mem>>
      tpu.enqueue_dma source(%arg6 : memref<1x16xf32, #tpu.memory_space<hbm>>) target(%arg13 : memref<1x16xf32, #tpu.memory_space<vmem>>) target_semaphore(%run_scoped3A : memref<!tpu.dma_semaphore, #tpu.memory_space<semaphore_mem>>)
      tpu.wait_dma2 semaphore(%run_scoped3A : memref<!tpu.dma_semaphore, #tpu.memory_space<semaphore_mem>>) src(%arg6 : memref<1x16xf32, #tpu.memory_space<hbm>>) dst(%arg13 : memref<1x16xf32, #tpu.memory_space<vmem>>)
      tpu.yield
    }) : () -> ()
    %get3A = arith.constant 0 : i32
    %get3A_3 = arith.index_cast %get3A : i32 to index
    %get3A_4 = arith.constant 0 : index
    %get3A_5 = tpu.vector_load %arg12[%get3A_3, %get3A_4] {strides = array<i32>} : memref<27x16xf32, #tpu.memory_space<vmem>>, vector<1x16xf32>,
    %get3A_6 = vector.shape_cast %get3A_5 : vector<1x16xf32> to vector<16xf32>
    %get3A_7 = arith.constant 1 : i32
    %get3A_8 = arith.index_cast %get3A_7 : i32 to index
    %get3A_9 = arith.constant 0 : index
    %get3A_10 = tpu.vector_load %arg12[%get3A_8, %get3A_9] {strides = array<i32>} : memref<27x16xf32, #tpu.memory_space<vmem>>, vector<1x16xf32>,
    %get3A_11 = vector.shape_cast %get3A_10 : vector<1x16xf32> to vector<16xf32>
    %get3A_12 = arith.constant 2 : i32
    %get3A_13 = arith.index_cast %get3A_12 : i32 to index
    %get3A_14 = arith.constant 0 : index
    %get3A_15 = tpu.vector_load %arg12[%get3A_13, %get3A_14] {strides = array<i32>} : memref<27x16xf32, #tpu.memory_space<vmem>>, vector<1x16xf32>,
    %get3A_16 = vector.shape_cast %get3A_15 : vector<1x16xf32> to vector<16xf32>
    %get3A_17 = arith.constant 3 : i32
    %get3A_18 = arith.index_cast %get3A_17 : i32 to index
    %get3A_19 = arith.constant 0 : index
    %get3A_20 = tpu.vector_load %arg12[%get3A_18, %get3A_19] {strides = array<i32>} : memref<27x16xf32, #tpu.memory_space<vmem>>, vector<1x16xf32>,
    %get3A_21 = vector.shape_cast %get3A_20 : vector<1x16xf32> to vector<16xf32>
    %get3A_22 = arith.constant 4 : i32
    %get3A_23 = arith.index_cast %get3A_22 : i32 to index
    %get3A_24 = arith.constant 0 : index
    %get3A_25 = tpu.vector_load %arg12[%get3A_23, %get3A_24] {strides = array<i32>} : memref<27x16xf32, #tpu.memory_space<vmem>>, vector<1x16xf32>,
    %get3A_26 = vector.shape_cast %get3A_25 : vector<1x16xf32> to vector<16xf32>
    %get3A_27 = arith.constant 5 : i32
    %get3A_28 = arith.index_cast %get3A_27 : i32 to index
    %get3A_29 = arith.constant 0 : index
    %get3A_30 = tpu.vector_load %arg12[%get3A_28, %get3A_29] {strides = array<i32>} : memref<27x16xf32, #tpu.memory_space<vmem>>, vector<1x16xf32>,
    %get3A_31 = vector.shape_cast %get3A_30 : vector<1x16xf32> to vector<16xf32>
    %get3A_32 = arith.constant 6 : i32
    %get3A_33 = arith.index_cast %get3A_32 : i32 to index
    %get3A_34 = arith.constant 0 : index
    %get3A_35 = tpu.vector_load %arg12[%get3A_33, %get3A_34] {strides = array<i32>} : memref<27x16xf32, #tpu.memory_space<vmem>>, vector<1x16xf32>,
    %get3A_36 = vector.shape_cast %get3A_35 : vector<1x16xf32> to vector<16xf32>
    %get3A_37 = arith.constant 7 : i32
    %get3A_38 = arith.index_cast %get3A_37 : i32 to index
    %get3A_39 = arith.constant 0 : index
    %get3A_40 = tpu.vector_load %arg12[%get3A_38, %get3A_39] {strides = array<i32>} : memref<27x16xf32, #tpu.memory_space<vmem>>, vector<1x16xf32>,
    %get3A_41 = vector.shape_cast %get3A_40 : vector<1x16xf32> to vector<16xf32>
    %get3A_42 = arith.constant 8 : i32
    %get3A_43 = arith.index_cast %get3A_42 : i32 to index
    %get3A_44 = arith.constant 0 : index
    %get3A_45 = tpu.vector_load %arg12[%get3A_43, %get3A_44] {strides = array<i32>} : memref<27x16xf32, #tpu.memory_space<vmem>>, vector<1x16xf32>,
    %get3A_46 = vector.shape_cast %get3A_45 : vector<1x16xf32> to vector<16xf32>
    %get3A_47 = arith.constant 9 : i32
    %get3A_48 = arith.index_cast %get3A_47 : i32 to index
    %get3A_49 = arith.constant 0 : index
    %get3A_50 = tpu.vector_load %arg12[%get3A_48, %get3A_49] {strides = array<i32>} : memref<27x16xf32, #tpu.memory_space<vmem>>, vector<1x16xf32>,
    %get3A_51 = vector.shape_cast %get3A_50 : vector<1x16xf32> to vector<16xf32>
    %get3A_52 = arith.constant 10 : i32
    %get3A_53 = arith.index_cast %get3A_52 : i32 to index
    %get3A_54 = arith.constant 0 : index
    %get3A_55 = tpu.vector_load %arg12[%get3A_53, %get3A_54] {strides = array<i32>} : memref<27x16xf32, #tpu.memory_space<vmem>>, vector<1x16xf32>,
    %get3A_56 = vector.shape_cast %get3A_55 : vector<1x16xf32> to vector<16xf32>
    %get3A_57 = arith.constant 11 : i32
    %get3A_58 = arith.index_cast %get3A_57 : i32 to index
    %get3A_59 = arith.constant 0 : index
    %get3A_60 = tpu.vector_load %arg12[%get3A_58, %get3A_59] {strides = array<i32>} : memref<27x16xf32, #tpu.memory_space<vmem>>, vector<1x16xf32>,
    %get3A_61 = vector.shape_cast %get3A_60 : vector<1x16xf32> to vector<16xf32>
    %get3A_62 = arith.constant 12 : i32
    %get3A_63 = arith.index_cast %get3A_62 : i32 to index
    %get3A_64 = arith.constant 0 : index
    %get3A_65 = tpu.vector_load %arg12[%get3A_63, %get3A_64] {strides = array<i32>} : memref<27x16xf32, #tpu.memory_space<vmem>>, vector<1x16xf32>,
    %get3A_66 = vector.shape_cast %get3A_65 : vector<1x16xf32> to vector<16xf32>
    %get3A_67 = arith.constant 13 : i32
    %get3A_68 = arith.index_cast %get3A_67 : i32 to index
    %get3A_69 = arith.constant 0 : index
    %get3A_70 = tpu.vector_load %arg12[%get3A_68, %get3A_69] {strides = array<i32>} : memref<27x16xf32, #tpu.memory_space<vmem>>, vector<1x16xf32>,
    %get3A_71 = vector.shape_cast %get3A_70 : vector<1x16xf32> to vector<16xf32>
    %get3A_72 = arith.constant 14 : i32
    %get3A_73 = arith.index_cast %get3A_72 : i32 to index
    %get3A_74 = arith.constant 0 : index
    %get3A_75 = tpu.vector_load %arg12[%get3A_73, %get3A_74] {strides = array<i32>} : memref<27x16xf32, #tpu.memory_space<vmem>>, vector<1x16xf32>,
    %get3A_76 = vector.shape_cast %get3A_75 : vector<1x16xf32> to vector<16xf32>
    %get3A_77 = arith.constant 15 : i32
    %get3A_78 = arith.index_cast %get3A_77 : i32 to index
    %get3A_79 = arith.constant 0 : index
    %get3A_80 = tpu.vector_load %arg12[%get3A_78, %get3A_79] {strides = array<i32>} : memref<27x16xf32, #tpu.memory_space<vmem>>, vector<1x16xf32>,
    %get3A_81 = vector.shape_cast %get3A_80 : vector<1x16xf32> to vector<16xf32>
    %get3A_82 = arith.constant 16 : i32
    %get3A_83 = arith.index_cast %get3A_82 : i32 to index
    %get3A_84 = arith.constant 0 : index
    %get3A_85 = tpu.vector_load %arg12[%get3A_83, %get3A_84] {strides = array<i32>} : memref<27x16xf32, #tpu.memory_space<vmem>>, vector<1x16xf32>,
    %get3A_86 = vector.shape_cast %get3A_85 : vector<1x16xf32> to vector<16xf32>
    %get3A_87 = arith.constant 17 : i32
    %get3A_88 = arith.index_cast %get3A_87 : i32 to index
    %get3A_89 = arith.constant 0 : index
    %get3A_90 = tpu.vector_load %arg12[%get3A_88, %get3A_89] {strides = array<i32>} : memref<27x16xf32, #tpu.memory_space<vmem>>, vector<1x16xf32>,
    %get3A_91 = vector.shape_cast %get3A_90 : vector<1x16xf32> to vector<16xf32>
    %get3A_92 = arith.constant 18 : i32
    %get3A_93 = arith.index_cast %get3A_92 : i32 to index
    %get3A_94 = arith.constant 0 : index
    %get3A_95 = tpu.vector_load %arg12[%get3A_93, %get3A_94] {strides = array<i32>} : memref<27x16xf32, #tpu.memory_space<vmem>>, vector<1x16xf32>,
    %get3A_96 = vector.shape_cast %get3A_95 : vector<1x16xf32> to vector<16xf32>
    %get3A_97 = arith.constant 19 : i32
    %get3A_98 = arith.index_cast %get3A_97 : i32 to index
    %get3A_99 = arith.constant 0 : index
    %get3A_100 = tpu.vector_load %arg12[%get3A_98, %get3A_99] {strides = array<i32>} : memref<27x16xf32, #tpu.memory_space<vmem>>, vector<1x16xf32>,
    %get3A_101 = vector.shape_cast %get3A_100 : vector<1x16xf32> to vector<16xf32>
    %get3A_102 = arith.constant 20 : i32
    %get3A_103 = arith.index_cast %get3A_102 : i32 to index
    %get3A_104 = arith.constant 0 : index
    %get3A_105 = tpu.vector_load %arg12[%get3A_103, %get3A_104] {strides = array<i32>} : memref<27x16xf32, #tpu.memory_space<vmem>>, vector<1x16xf32>,
    %get3A_106 = vector.shape_cast %get3A_105 : vector<1x16xf32> to vector<16xf32>
    %get3A_107 = arith.constant 21 : i32
    %get3A_108 = arith.index_cast %get3A_107 : i32 to index
    %get3A_109 = arith.constant 0 : index
    %get3A_110 = tpu.vector_load %arg12[%get3A_108, %get3A_109] {strides = array<i32>} : memref<27x16xf32, #tpu.memory_space<vmem>>, vector<1x16xf32>,
    %get3A_111 = vector.shape_cast %get3A_110 : vector<1x16xf32> to vector<16xf32>
    %get3A_112 = arith.constant 22 : i32
    %get3A_113 = arith.index_cast %get3A_112 : i32 to index
    %get3A_114 = arith.constant 0 : index
    %get3A_115 = tpu.vector_load %arg12[%get3A_113, %get3A_114] {strides = array<i32>} : memref<27x16xf32, #tpu.memory_space<vmem>>, vector<1x16xf32>,
    %get3A_116 = vector.shape_cast %get3A_115 : vector<1x16xf32> to vector<16xf32>
    %get3A_117 = arith.constant 23 : i32
    %get3A_118 = arith.index_cast %get3A_117 : i32 to index
    %get3A_119 = arith.constant 0 : index
    %get3A_120 = tpu.vector_load %arg12[%get3A_118, %get3A_119] {strides = array<i32>} : memref<27x16xf32, #tpu.memory_space<vmem>>, vector<1x16xf32>,
    %get3A_121 = vector.shape_cast %get3A_120 : vector<1x16xf32> to vector<16xf32>
    %get3A_122 = arith.constant 24 : i32
    %get3A_123 = arith.index_cast %get3A_122 : i32 to index
    %get3A_124 = arith.constant 0 : index
    %get3A_125 = tpu.vector_load %arg12[%get3A_123, %get3A_124] {strides = array<i32>} : memref<27x16xf32, #tpu.memory_space<vmem>>, vector<1x16xf32>,
    %get3A_126 = vector.shape_cast %get3A_125 : vector<1x16xf32> to vector<16xf32>
    %get3A_127 = arith.constant 25 : i32
    %get3A_128 = arith.index_cast %get3A_127 : i32 to index
    %get3A_129 = arith.constant 0 : index
    %get3A_130 = tpu.vector_load %arg12[%get3A_128, %get3A_129] {strides = array<i32>} : memref<27x16xf32, #tpu.memory_space<vmem>>, vector<1x16xf32>,
    %get3A_131 = vector.shape_cast %get3A_130 : vector<1x16xf32> to vector<16xf32>
    %get3A_132 = arith.constant 0 : i32
    %get3A_133 = arith.index_cast %get3A_132 : i32 to index
    %get3A_134 = arith.constant 0 : index
    %get3A_135 = tpu.vector_load %arg13[%get3A_133, %get3A_134] {strides = array<i32>} : memref<1x16xf32, #tpu.memory_space<vmem>>, vector<1x16xf32>,
    %get3A_136 = vector.shape_cast %get3A_135 : vector<1x16xf32> to vector<16xf32>
    %scan3A = arith.constant 0 : i32
    %scan3A_137 = arith.constant 0 : i32
    %scan3A_138 = arith.constant 4 : i32
    %scan3A_139 = arith.addi %scan3A_137, %scan3A_138 : i32
    %scan3A_140 = arith.constant 1 : i32
    %scan3A_141 = scf.for %scan3A_143 = %scan3A_137 to %scan3A_139 step %scan3A_140 iter_args(%scan3A_144 = %scan3A) -> (i32)  : i32 {
      %mul3A_145 = arith.constant 128 : i32
      %mul3A_146 = arith.muli %scan3A_143, %mul3A_145 : i32
      %add3A_147 = arith.addi %mul3A_2, %mul3A_146 : i32
      %mul3A_148 = arith.constant 26 : i32
      %mul3A_149 = arith.muli %add3A_147, %mul3A_148 : i32
      "tpu.region"() ({
        %run_scoped3A = tpu.sem_alloc : memref<!tpu.dma_semaphore, #tpu.memory_space<semaphore_mem>>
        %dma_start3A_685 = tpu.memref_slice %arg3[%mul3A_149] : memref<425984xi32, #tpu.memory_space<hbm>> -> memref<3328xi32, #tpu.memory_space<hbm>>
        %dma_start3A_686 = tpu.memref_slice %arg3[%mul3A_149] : memref<425984xi32, #tpu.memory_space<hbm>> -> memref<3328xi32, #tpu.memory_space<hbm>>
        tpu.enqueue_dma source(%dma_start3A_686 : memref<3328xi32, #tpu.memory_space<hbm>>) target(%arg9 : memref<3328xi32, #tpu.memory_space<vmem>>) target_semaphore(%run_scoped3A : memref<!tpu.dma_semaphore, #tpu.memory_space<semaphore_mem>>)
        %dma_wait3A_687 = tpu.memref_slice %arg3[%mul3A_149] : memref<425984xi32, #tpu.memory_space<hbm>> -> memref<3328xi32, #tpu.memory_space<hbm>>
        %dma_wait3A_688 = tpu.memref_slice %arg3[%mul3A_149] : memref<425984xi32, #tpu.memory_space<hbm>> -> memref<3328xi32, #tpu.memory_space<hbm>>
        tpu.wait_dma2 semaphore(%run_scoped3A : memref<!tpu.dma_semaphore, #tpu.memory_space<semaphore_mem>>) src(%dma_wait3A_688 : memref<3328xi32, #tpu.memory_space<hbm>>) dst(%arg9 : memref<3328xi32, #tpu.memory_space<vmem>>)
        tpu.yield
      }) : () -> ()
      "tpu.region"() ({
        %run_scoped3A = tpu.sem_alloc : memref<!tpu.dma_semaphore, #tpu.memory_space<semaphore_mem>>
        %dma_start3A_685 = arith.constant 0 : i32
        %dma_start3A_686 = tpu.memref_slice %arg7[%add3A_147, %dma_start3A_685] : memref<16384x16xf32, #tpu.memory_space<hbm>> -> memref<128x16xf32, #tpu.memory_space<hbm>>
        %dma_start3A_687 = arith.constant 0 : i32
        %dma_start3A_688 = tpu.memref_slice %arg7[%add3A_147, %dma_start3A_687] : memref<16384x16xf32, #tpu.memory_space<hbm>> -> memref<128x16xf32, #tpu.memory_space<hbm>>
        tpu.enqueue_dma source(%dma_start3A_688 : memref<128x16xf32, #tpu.memory_space<hbm>>) target(%arg15 : memref<128x16xf32, #tpu.memory_space<vmem>>) target_semaphore(%run_scoped3A : memref<!tpu.dma_semaphore, #tpu.memory_space<semaphore_mem>>)
        %dma_wait3A_689 = arith.constant 0 : i32
        %dma_wait3A_690 = tpu.memref_slice %arg7[%add3A_147, %dma_wait3A_689] : memref<16384x16xf32, #tpu.memory_space<hbm>> -> memref<128x16xf32, #tpu.memory_space<hbm>>
        %dma_wait3A_691 = arith.constant 0 : i32
        %dma_wait3A_692 = tpu.memref_slice %arg7[%add3A_147, %dma_wait3A_691] : memref<16384x16xf32, #tpu.memory_space<hbm>> -> memref<128x16xf32, #tpu.memory_space<hbm>>
        tpu.wait_dma2 semaphore(%run_scoped3A : memref<!tpu.dma_semaphore, #tpu.memory_space<semaphore_mem>>) src(%dma_wait3A_692 : memref<128x16xf32, #tpu.memory_space<hbm>>) dst(%arg15 : memref<128x16xf32, #tpu.memory_space<vmem>>)
        tpu.yield
      }) : () -> ()
      %scan3A_150 = arith.constant 0 : i32
      %scan3A_151 = arith.constant 0 : i32
      %scan3A_152 = arith.constant 26 : i32
      %scan3A_153 = arith.addi %scan3A_151, %scan3A_152 : i32
      %scan3A_154 = arith.constant 1 : i32
      %scan3A_155 = scf.for %scan3A_685 = %scan3A_151 to %scan3A_153 step %scan3A_154 iter_args(%scan3A_686 = %scan3A_150) -> (i32)  : i32 {
        %mul3A_687 = arith.constant 128 : i32
        %mul3A_688 = arith.muli %scan3A_685, %mul3A_687 : i32
        %add3A_689 = arith.constant 0 : i32
        %add3A_690 = arith.addi %mul3A_688, %add3A_689 : i32
        %get3A_691 = arith.index_cast %add3A_690 : i32 to index
        %get3A_692 = tpu.vector_load %arg9[%get3A_691] {strides = array<i32>} : memref<3328xi32, #tpu.memory_space<vmem>>, vector<16xi32>,
        %get3A_693 = vector.shape_cast %get3A_692 : vector<16xi32> to vector<16xi32>
        %get3A_694 = arith.index_cast %add3A_690 : i32 to index
        %get3A_695 = tpu.vector_load %arg11[%get3A_694] {strides = array<i32>} : memref<3328xi32, #tpu.memory_space<vmem>>, vector<16xi32>,
        %get3A_696 = vector.shape_cast %get3A_695 : vector<16xi32> to vector<16xi32>
        %add3A_697 = arith.addi %get3A_693, %get3A_696 : vector<16xi32>
        %swap3A = arith.index_cast %scan3A_685 : i32 to index
        %swap3A_698 = arith.constant 0 : index
        %swap3A_699 = tpu.vector_load %arg10[%swap3A, %swap3A_698] {strides = array<i32>} : memref<26x128xi32, #tpu.memory_space<vmem>>, vector<1x16xi32>,
        %swap3A_700 = vector.shape_cast %swap3A_699 : vector<1x16xi32> to vector<16xi32>
        %swap3A_701 = vector.shape_cast %add3A_697 : vector<16xi32> to vector<1x16xi32>
        tpu.vector_store %arg10[%swap3A, %swap3A_698], %swap3A_701 {strides = array<i32>} : memref<26x128xi32, #tpu.memory_space<vmem>>, vector<1x16xi32>,
        %mul3A_702 = arith.constant 128 : i32
        %mul3A_703 = arith.muli %scan3A_685, %mul3A_702 : i32
        %add3A_704 = arith.constant 16 : i32
        %add3A_705 = arith.addi %mul3A_703, %add3A_704 : i32
        %get3A_706 = arith.index_cast %add3A_705 : i32 to index
        %get3A_707 = tpu.vector_load %arg9[%get3A_706] {strides = array<i32>} : memref<3328xi32, #tpu.memory_space<vmem>>, vector<16xi32>,
        %get3A_708 = vector.shape_cast %get3A_707 : vector<16xi32> to vector<16xi32>
        %get3A_709 = arith.index_cast %add3A_705 : i32 to index
        %get3A_710 = tpu.vector_load %arg11[%get3A_709] {strides = array<i32>} : memref<3328xi32, #tpu.memory_space<vmem>>, vector<16xi32>,
        %get3A_711 = vector.shape_cast %get3A_710 : vector<16xi32> to vector<16xi32>
        %add3A_712 = arith.addi %get3A_708, %get3A_711 : vector<16xi32>
        %swap3A_713 = arith.index_cast %scan3A_685 : i32 to index
        %swap3A_714 = arith.constant 16 : index
        %swap3A_715 = tpu.vector_load %arg10[%swap3A_713, %swap3A_714] {strides = array<i32>} : memref<26x128xi32, #tpu.memory_space<vmem>>, vector<1x16xi32>,
        %swap3A_716 = vector.shape_cast %swap3A_715 : vector<1x16xi32> to vector<16xi32>
        %swap3A_717 = vector.shape_cast %add3A_712 : vector<16xi32> to vector<1x16xi32>
        tpu.vector_store %arg10[%swap3A_713, %swap3A_714], %swap3A_717 {strides = array<i32>} : memref<26x128xi32, #tpu.memory_space<vmem>>, vector<1x16xi32>,
        %mul3A_718 = arith.constant 128 : i32
        %mul3A_719 = arith.muli %scan3A_685, %mul3A_718 : i32
        %add3A_720 = arith.constant 32 : i32
        %add3A_721 = arith.addi %mul3A_719, %add3A_720 : i32
        %get3A_722 = arith.index_cast %add3A_721 : i32 to index
        %get3A_723 = tpu.vector_load %arg9[%get3A_722] {strides = array<i32>} : memref<3328xi32, #tpu.memory_space<vmem>>, vector<16xi32>,
        %get3A_724 = vector.shape_cast %get3A_723 : vector<16xi32> to vector<16xi32>
        %get3A_725 = arith.index_cast %add3A_721 : i32 to index
        %get3A_726 = tpu.vector_load %arg11[%get3A_725] {strides = array<i32>} : memref<3328xi32, #tpu.memory_space<vmem>>, vector<16xi32>,
        %get3A_727 = vector.shape_cast %get3A_726 : vector<16xi32> to vector<16xi32>
        %add3A_728 = arith.addi %get3A_724, %get3A_727 : vector<16xi32>
        %swap3A_729 = arith.index_cast %scan3A_685 : i32 to index
        %swap3A_730 = arith.constant 32 : index
        %swap3A_731 = tpu.vector_load %arg10[%swap3A_729, %swap3A_730] {strides = array<i32>} : memref<26x128xi32, #tpu.memory_space<vmem>>, vector<1x16xi32>,
        %swap3A_732 = vector.shape_cast %swap3A_731 : vector<1x16xi32> to vector<16xi32>
        %swap3A_733 = vector.shape_cast %add3A_728 : vector<16xi32> to vector<1x16xi32>
        tpu.vector_store %arg10[%swap3A_729, %swap3A_730], %swap3A_733 {strides = array<i32>} : memref<26x128xi32, #tpu.memory_space<vmem>>, vector<1x16xi32>,
        %mul3A_734 = arith.constant 128 : i32
        %mul3A_735 = arith.muli %scan3A_685, %mul3A_734 : i32
        %add3A_736 = arith.constant 48 : i32
        %add3A_737 = arith.addi %mul3A_735, %add3A_736 : i32
        %get3A_738 = arith.index_cast %add3A_737 : i32 to index
        %get3A_739 = tpu.vector_load %arg9[%get3A_738] {strides = array<i32>} : memref<3328xi32, #tpu.memory_space<vmem>>, vector<16xi32>,
        %get3A_740 = vector.shape_cast %get3A_739 : vector<16xi32> to vector<16xi32>
        %get3A_741 = arith.index_cast %add3A_737 : i32 to index
        %get3A_742 = tpu.vector_load %arg11[%get3A_741] {strides = array<i32>} : memref<3328xi32, #tpu.memory_space<vmem>>, vector<16xi32>,
        %get3A_743 = vector.shape_cast %get3A_742 : vector<16xi32> to vector<16xi32>
        %add3A_744 = arith.addi %get3A_740, %get3A_743 : vector<16xi32>
        %swap3A_745 = arith.index_cast %scan3A_685 : i32 to index
        %swap3A_746 = arith.constant 48 : index
        %swap3A_747 = tpu.vector_load %arg10[%swap3A_745, %swap3A_746] {strides = array<i32>} : memref<26x128xi32, #tpu.memory_space<vmem>>, vector<1x16xi32>,
        %swap3A_748 = vector.shape_cast %swap3A_747 : vector<1x16xi32> to vector<16xi32>
        %swap3A_749 = vector.shape_cast %add3A_744 : vector<16xi32> to vector<1x16xi32>
        tpu.vector_store %arg10[%swap3A_745, %swap3A_746], %swap3A_749 {strides = array<i32>} : memref<26x128xi32, #tpu.memory_space<vmem>>, vector<1x16xi32>,
        %mul3A_750 = arith.constant 128 : i32
        %mul3A_751 = arith.muli %scan3A_685, %mul3A_750 : i32
        %add3A_752 = arith.constant 64 : i32
        %add3A_753 = arith.addi %mul3A_751, %add3A_752 : i32
        %get3A_754 = arith.index_cast %add3A_753 : i32 to index
        %get3A_755 = tpu.vector_load %arg9[%get3A_754] {strides = array<i32>} : memref<3328xi32, #tpu.memory_space<vmem>>, vector<16xi32>,
        %get3A_756 = vector.shape_cast %get3A_755 : vector<16xi32> to vector<16xi32>
        %get3A_757 = arith.index_cast %add3A_753 : i32 to index
        %get3A_758 = tpu.vector_load %arg11[%get3A_757] {strides = array<i32>} : memref<3328xi32, #tpu.memory_space<vmem>>, vector<16xi32>,
        %get3A_759 = vector.shape_cast %get3A_758 : vector<16xi32> to vector<16xi32>
        %add3A_760 = arith.addi %get3A_756, %get3A_759 : vector<16xi32>
        %swap3A_761 = arith.index_cast %scan3A_685 : i32 to index
        %swap3A_762 = arith.constant 64 : index
        %swap3A_763 = tpu.vector_load %arg10[%swap3A_761, %swap3A_762] {strides = array<i32>} : memref<26x128xi32, #tpu.memory_space<vmem>>, vector<1x16xi32>,
        %swap3A_764 = vector.shape_cast %swap3A_763 : vector<1x16xi32> to vector<16xi32>
        %swap3A_765 = vector.shape_cast %add3A_760 : vector<16xi32> to vector<1x16xi32>
        tpu.vector_store %arg10[%swap3A_761, %swap3A_762], %swap3A_765 {strides = array<i32>} : memref<26x128xi32, #tpu.memory_space<vmem>>, vector<1x16xi32>,
        %mul3A_766 = arith.constant 128 : i32
        %mul3A_767 = arith.muli %scan3A_685, %mul3A_766 : i32
        %add3A_768 = arith.constant 80 : i32
        %add3A_769 = arith.addi %mul3A_767, %add3A_768 : i32
        %get3A_770 = arith.index_cast %add3A_769 : i32 to index
        %get3A_771 = tpu.vector_load %arg9[%get3A_770] {strides = array<i32>} : memref<3328xi32, #tpu.memory_space<vmem>>, vector<16xi32>,
        %get3A_772 = vector.shape_cast %get3A_771 : vector<16xi32> to vector<16xi32>
        %get3A_773 = arith.index_cast %add3A_769 : i32 to index
        %get3A_774 = tpu.vector_load %arg11[%get3A_773] {strides = array<i32>} : memref<3328xi32, #tpu.memory_space<vmem>>, vector<16xi32>,
        %get3A_775 = vector.shape_cast %get3A_774 : vector<16xi32> to vector<16xi32>
        %add3A_776 = arith.addi %get3A_772, %get3A_775 : vector<16xi32>
        %swap3A_777 = arith.index_cast %scan3A_685 : i32 to index
        %swap3A_778 = arith.constant 80 : index
        %swap3A_779 = tpu.vector_load %arg10[%swap3A_777, %swap3A_778] {strides = array<i32>} : memref<26x128xi32, #tpu.memory_space<vmem>>, vector<1x16xi32>,
        %swap3A_780 = vector.shape_cast %swap3A_779 : vector<1x16xi32> to vector<16xi32>
        %swap3A_781 = vector.shape_cast %add3A_776 : vector<16xi32> to vector<1x16xi32>
        tpu.vector_store %arg10[%swap3A_777, %swap3A_778], %swap3A_781 {strides = array<i32>} : memref<26x128xi32, #tpu.memory_space<vmem>>, vector<1x16xi32>,
        %mul3A_782 = arith.constant 128 : i32
        %mul3A_783 = arith.muli %scan3A_685, %mul3A_782 : i32
        %add3A_784 = arith.constant 96 : i32
        %add3A_785 = arith.addi %mul3A_783, %add3A_784 : i32
        %get3A_786 = arith.index_cast %add3A_785 : i32 to index
        %get3A_787 = tpu.vector_load %arg9[%get3A_786] {strides = array<i32>} : memref<3328xi32, #tpu.memory_space<vmem>>, vector<16xi32>,
        %get3A_788 = vector.shape_cast %get3A_787 : vector<16xi32> to vector<16xi32>
        %get3A_789 = arith.index_cast %add3A_785 : i32 to index
        %get3A_790 = tpu.vector_load %arg11[%get3A_789] {strides = array<i32>} : memref<3328xi32, #tpu.memory_space<vmem>>, vector<16xi32>,
        %get3A_791 = vector.shape_cast %get3A_790 : vector<16xi32> to vector<16xi32>
        %add3A_792 = arith.addi %get3A_788, %get3A_791 : vector<16xi32>
        %swap3A_793 = arith.index_cast %scan3A_685 : i32 to index
        %swap3A_794 = arith.constant 96 : index
        %swap3A_795 = tpu.vector_load %arg10[%swap3A_793, %swap3A_794] {strides = array<i32>} : memref<26x128xi32, #tpu.memory_space<vmem>>, vector<1x16xi32>,
        %swap3A_796 = vector.shape_cast %swap3A_795 : vector<1x16xi32> to vector<16xi32>
        %swap3A_797 = vector.shape_cast %add3A_792 : vector<16xi32> to vector<1x16xi32>
        tpu.vector_store %arg10[%swap3A_793, %swap3A_794], %swap3A_797 {strides = array<i32>} : memref<26x128xi32, #tpu.memory_space<vmem>>, vector<1x16xi32>,
        %mul3A_798 = arith.constant 128 : i32
        %mul3A_799 = arith.muli %scan3A_685, %mul3A_798 : i32
        %add3A_800 = arith.constant 112 : i32
        %add3A_801 = arith.addi %mul3A_799, %add3A_800 : i32
        %get3A_802 = arith.index_cast %add3A_801 : i32 to index
        %get3A_803 = tpu.vector_load %arg9[%get3A_802] {strides = array<i32>} : memref<3328xi32, #tpu.memory_space<vmem>>, vector<16xi32>,
        %get3A_804 = vector.shape_cast %get3A_803 : vector<16xi32> to vector<16xi32>
        %get3A_805 = arith.index_cast %add3A_801 : i32 to index
        %get3A_806 = tpu.vector_load %arg11[%get3A_805] {strides = array<i32>} : memref<3328xi32, #tpu.memory_space<vmem>>, vector<16xi32>,
        %get3A_807 = vector.shape_cast %get3A_806 : vector<16xi32> to vector<16xi32>
        %add3A_808 = arith.addi %get3A_804, %get3A_807 : vector<16xi32>
        %swap3A_809 = arith.index_cast %scan3A_685 : i32 to index
        %swap3A_810 = arith.constant 112 : index
        %swap3A_811 = tpu.vector_load %arg10[%swap3A_809, %swap3A_810] {strides = array<i32>} : memref<26x128xi32, #tpu.memory_space<vmem>>, vector<1x16xi32>,
        %swap3A_812 = vector.shape_cast %swap3A_811 : vector<1x16xi32> to vector<16xi32>
        %swap3A_813 = vector.shape_cast %add3A_808 : vector<16xi32> to vector<1x16xi32>
        tpu.vector_store %arg10[%swap3A_809, %swap3A_810], %swap3A_813 {strides = array<i32>} : memref<26x128xi32, #tpu.memory_space<vmem>>, vector<1x16xi32>,
        %scan3A_814 = arith.constant 0 : i32
        scf.yield %scan3A_814 : i32
      }
      %scan3A_156 = arith.constant 26 : i32
      %dma_start3A = arith.constant 0 : i32
      %dma_start3A_157 = arith.constant 0 : i32
      %dma_start3A_158 = arith.constant 0 : i32
      %dma_start3A_159 = tpu.memref_slice %arg14[%dma_start3A_157, %dma_start3A_158] : memref<3328x16xf32, #tpu.memory_space<vmem>> -> memref<128x16xf32, #tpu.memory_space<vmem>>
      %dma_start3A_160 = arith.constant 0 : i32
      %dma_start3A_161 = tpu.memref_slice %arg10[%dma_start3A, %dma_start3A_160] : memref<26x128xi32, #tpu.memory_space<vmem>> -> memref<1x128xi32, #tpu.memory_space<vmem>>
      %dma_start3A_162 = tpu.memref_squeeze %dma_start3A_161 : memref<1x128xi32, #tpu.memory_space<vmem>> -> memref<128xi32, #tpu.memory_space<vmem>>
      %dma_start3A_163 = arith.constant 0 : i32
      %dma_start3A_164 = arith.constant 0 : i32
      %dma_start3A_165 = tpu.memref_slice %arg2[%dma_start3A_163, %dma_start3A_164] : memref<2600026x16xf32, #tpu.memory_space<hbm>> -> memref<2600026x16xf32, #tpu.memory_space<hbm>>
      tpu.enqueue_indirect_dma source(%dma_start3A_165 : memref<2600026x16xf32, #tpu.memory_space<hbm>>) target(%dma_start3A_159 : memref<128x16xf32, #tpu.memory_space<vmem>>) offsets(%dma_start3A_162 : memref<128xi32, #tpu.memory_space<vmem>>) semaphore(%arg17 : memref<!tpu.dma_semaphore, #tpu.memory_space<semaphore_mem>>)
      %dma_start3A_166 = arith.constant 1 : i32
      %dma_start3A_167 = arith.constant 128 : i32
      %dma_start3A_168 = arith.constant 0 : i32
      %dma_start3A_169 = tpu.memref_slice %arg14[%dma_start3A_167, %dma_start3A_168] : memref<3328x16xf32, #tpu.memory_space<vmem>> -> memref<128x16xf32, #tpu.memory_space<vmem>>
      %dma_start3A_170 = arith.constant 0 : i32
      %dma_start3A_171 = tpu.memref_slice %arg10[%dma_start3A_166, %dma_start3A_170] : memref<26x128xi32, #tpu.memory_space<vmem>> -> memref<1x128xi32, #tpu.memory_space<vmem>>
      %dma_start3A_172 = tpu.memref_squeeze %dma_start3A_171 : memref<1x128xi32, #tpu.memory_space<vmem>> -> memref<128xi32, #tpu.memory_space<vmem>>
      %dma_start3A_173 = arith.constant 0 : i32
      %dma_start3A_174 = arith.constant 0 : i32
      %dma_start3A_175 = tpu.memref_slice %arg2[%dma_start3A_173, %dma_start3A_174] : memref<2600026x16xf32, #tpu.memory_space<hbm>> -> memref<2600026x16xf32, #tpu.memory_space<hbm>>
      tpu.enqueue_indirect_dma source(%dma_start3A_175 : memref<2600026x16xf32, #tpu.memory_space<hbm>>) target(%dma_start3A_169 : memref<128x16xf32, #tpu.memory_space<vmem>>) offsets(%dma_start3A_172 : memref<128xi32, #tpu.memory_space<vmem>>) semaphore(%arg17 : memref<!tpu.dma_semaphore, #tpu.memory_space<semaphore_mem>>)
      %dma_start3A_176 = arith.constant 2 : i32
      %dma_start3A_177 = arith.constant 256 : i32
      %dma_start3A_178 = arith.constant 0 : i32
      %dma_start3A_179 = tpu.memref_slice %arg14[%dma_start3A_177, %dma_start3A_178] : memref<3328x16xf32, #tpu.memory_space<vmem>> -> memref<128x16xf32, #tpu.memory_space<vmem>>
      %dma_start3A_180 = arith.constant 0 : i32
      %dma_start3A_181 = tpu.memref_slice %arg10[%dma_start3A_176, %dma_start3A_180] : memref<26x128xi32, #tpu.memory_space<vmem>> -> memref<1x128xi32, #tpu.memory_space<vmem>>
      %dma_start3A_182 = tpu.memref_squeeze %dma_start3A_181 : memref<1x128xi32, #tpu.memory_space<vmem>> -> memref<128xi32, #tpu.memory_space<vmem>>
      %dma_start3A_183 = arith.constant 0 : i32
      %dma_start3A_184 = arith.constant 0 : i32
      %dma_start3A_185 = tpu.memref_slice %arg2[%dma_start3A_183, %dma_start3A_184] : memref<2600026x16xf32, #tpu.memory_space<hbm>> -> memref<2600026x16xf32, #tpu.memory_space<hbm>>
      tpu.enqueue_indirect_dma source(%dma_start3A_185 : memref<2600026x16xf32, #tpu.memory_space<hbm>>) target(%dma_start3A_179 : memref<128x16xf32, #tpu.memory_space<vmem>>) offsets(%dma_start3A_182 : memref<128xi32, #tpu.memory_space<vmem>>) semaphore(%arg17 : memref<!tpu.dma_semaphore, #tpu.memory_space<semaphore_mem>>)
      %dma_start3A_186 = arith.constant 3 : i32
      %dma_start3A_187 = arith.constant 384 : i32
      %dma_start3A_188 = arith.constant 0 : i32
      %dma_start3A_189 = tpu.memref_slice %arg14[%dma_start3A_187, %dma_start3A_188] : memref<3328x16xf32, #tpu.memory_space<vmem>> -> memref<128x16xf32, #tpu.memory_space<vmem>>
      %dma_start3A_190 = arith.constant 0 : i32
      %dma_start3A_191 = tpu.memref_slice %arg10[%dma_start3A_186, %dma_start3A_190] : memref<26x128xi32, #tpu.memory_space<vmem>> -> memref<1x128xi32, #tpu.memory_space<vmem>>
      %dma_start3A_192 = tpu.memref_squeeze %dma_start3A_191 : memref<1x128xi32, #tpu.memory_space<vmem>> -> memref<128xi32, #tpu.memory_space<vmem>>
      %dma_start3A_193 = arith.constant 0 : i32
      %dma_start3A_194 = arith.constant 0 : i32
      %dma_start3A_195 = tpu.memref_slice %arg2[%dma_start3A_193, %dma_start3A_194] : memref<2600026x16xf32, #tpu.memory_space<hbm>> -> memref<2600026x16xf32, #tpu.memory_space<hbm>>
      tpu.enqueue_indirect_dma source(%dma_start3A_195 : memref<2600026x16xf32, #tpu.memory_space<hbm>>) target(%dma_start3A_189 : memref<128x16xf32, #tpu.memory_space<vmem>>) offsets(%dma_start3A_192 : memref<128xi32, #tpu.memory_space<vmem>>) semaphore(%arg17 : memref<!tpu.dma_semaphore, #tpu.memory_space<semaphore_mem>>)
      %dma_start3A_196 = arith.constant 4 : i32
      %dma_start3A_197 = arith.constant 512 : i32
      %dma_start3A_198 = arith.constant 0 : i32
      %dma_start3A_199 = tpu.memref_slice %arg14[%dma_start3A_197, %dma_start3A_198] : memref<3328x16xf32, #tpu.memory_space<vmem>> -> memref<128x16xf32, #tpu.memory_space<vmem>>
      %dma_start3A_200 = arith.constant 0 : i32
      %dma_start3A_201 = tpu.memref_slice %arg10[%dma_start3A_196, %dma_start3A_200] : memref<26x128xi32, #tpu.memory_space<vmem>> -> memref<1x128xi32, #tpu.memory_space<vmem>>
      %dma_start3A_202 = tpu.memref_squeeze %dma_start3A_201 : memref<1x128xi32, #tpu.memory_space<vmem>> -> memref<128xi32, #tpu.memory_space<vmem>>
      %dma_start3A_203 = arith.constant 0 : i32
      %dma_start3A_204 = arith.constant 0 : i32
      %dma_start3A_205 = tpu.memref_slice %arg2[%dma_start3A_203, %dma_start3A_204] : memref<2600026x16xf32, #tpu.memory_space<hbm>> -> memref<2600026x16xf32, #tpu.memory_space<hbm>>
      tpu.enqueue_indirect_dma source(%dma_start3A_205 : memref<2600026x16xf32, #tpu.memory_space<hbm>>) target(%dma_start3A_199 : memref<128x16xf32, #tpu.memory_space<vmem>>) offsets(%dma_start3A_202 : memref<128xi32, #tpu.memory_space<vmem>>) semaphore(%arg17 : memref<!tpu.dma_semaphore, #tpu.memory_space<semaphore_mem>>)
      %dma_start3A_206 = arith.constant 5 : i32
      %dma_start3A_207 = arith.constant 640 : i32
      %dma_start3A_208 = arith.constant 0 : i32
      %dma_start3A_209 = tpu.memref_slice %arg14[%dma_start3A_207, %dma_start3A_208] : memref<3328x16xf32, #tpu.memory_space<vmem>> -> memref<128x16xf32, #tpu.memory_space<vmem>>
      %dma_start3A_210 = arith.constant 0 : i32
      %dma_start3A_211 = tpu.memref_slice %arg10[%dma_start3A_206, %dma_start3A_210] : memref<26x128xi32, #tpu.memory_space<vmem>> -> memref<1x128xi32, #tpu.memory_space<vmem>>
      %dma_start3A_212 = tpu.memref_squeeze %dma_start3A_211 : memref<1x128xi32, #tpu.memory_space<vmem>> -> memref<128xi32, #tpu.memory_space<vmem>>
      %dma_start3A_213 = arith.constant 0 : i32
      %dma_start3A_214 = arith.constant 0 : i32
      %dma_start3A_215 = tpu.memref_slice %arg2[%dma_start3A_213, %dma_start3A_214] : memref<2600026x16xf32, #tpu.memory_space<hbm>> -> memref<2600026x16xf32, #tpu.memory_space<hbm>>
      tpu.enqueue_indirect_dma source(%dma_start3A_215 : memref<2600026x16xf32, #tpu.memory_space<hbm>>) target(%dma_start3A_209 : memref<128x16xf32, #tpu.memory_space<vmem>>) offsets(%dma_start3A_212 : memref<128xi32, #tpu.memory_space<vmem>>) semaphore(%arg17 : memref<!tpu.dma_semaphore, #tpu.memory_space<semaphore_mem>>)
      %dma_start3A_216 = arith.constant 6 : i32
      %dma_start3A_217 = arith.constant 768 : i32
      %dma_start3A_218 = arith.constant 0 : i32
      %dma_start3A_219 = tpu.memref_slice %arg14[%dma_start3A_217, %dma_start3A_218] : memref<3328x16xf32, #tpu.memory_space<vmem>> -> memref<128x16xf32, #tpu.memory_space<vmem>>
      %dma_start3A_220 = arith.constant 0 : i32
      %dma_start3A_221 = tpu.memref_slice %arg10[%dma_start3A_216, %dma_start3A_220] : memref<26x128xi32, #tpu.memory_space<vmem>> -> memref<1x128xi32, #tpu.memory_space<vmem>>
      %dma_start3A_222 = tpu.memref_squeeze %dma_start3A_221 : memref<1x128xi32, #tpu.memory_space<vmem>> -> memref<128xi32, #tpu.memory_space<vmem>>
      %dma_start3A_223 = arith.constant 0 : i32
      %dma_start3A_224 = arith.constant 0 : i32
      %dma_start3A_225 = tpu.memref_slice %arg2[%dma_start3A_223, %dma_start3A_224] : memref<2600026x16xf32, #tpu.memory_space<hbm>> -> memref<2600026x16xf32, #tpu.memory_space<hbm>>
      tpu.enqueue_indirect_dma source(%dma_start3A_225 : memref<2600026x16xf32, #tpu.memory_space<hbm>>) target(%dma_start3A_219 : memref<128x16xf32, #tpu.memory_space<vmem>>) offsets(%dma_start3A_222 : memref<128xi32, #tpu.memory_space<vmem>>) semaphore(%arg17 : memref<!tpu.dma_semaphore, #tpu.memory_space<semaphore_mem>>)
      %dma_start3A_226 = arith.constant 7 : i32
      %dma_start3A_227 = arith.constant 896 : i32
      %dma_start3A_228 = arith.constant 0 : i32
      %dma_start3A_229 = tpu.memref_slice %arg14[%dma_start3A_227, %dma_start3A_228] : memref<3328x16xf32, #tpu.memory_space<vmem>> -> memref<128x16xf32, #tpu.memory_space<vmem>>
      %dma_start3A_230 = arith.constant 0 : i32
      %dma_start3A_231 = tpu.memref_slice %arg10[%dma_start3A_226, %dma_start3A_230] : memref<26x128xi32, #tpu.memory_space<vmem>> -> memref<1x128xi32, #tpu.memory_space<vmem>>
      %dma_start3A_232 = tpu.memref_squeeze %dma_start3A_231 : memref<1x128xi32, #tpu.memory_space<vmem>> -> memref<128xi32, #tpu.memory_space<vmem>>
      %dma_start3A_233 = arith.constant 0 : i32
      %dma_start3A_234 = arith.constant 0 : i32
      %dma_start3A_235 = tpu.memref_slice %arg2[%dma_start3A_233, %dma_start3A_234] : memref<2600026x16xf32, #tpu.memory_space<hbm>> -> memref<2600026x16xf32, #tpu.memory_space<hbm>>
      tpu.enqueue_indirect_dma source(%dma_start3A_235 : memref<2600026x16xf32, #tpu.memory_space<hbm>>) target(%dma_start3A_229 : memref<128x16xf32, #tpu.memory_space<vmem>>) offsets(%dma_start3A_232 : memref<128xi32, #tpu.memory_space<vmem>>) semaphore(%arg17 : memref<!tpu.dma_semaphore, #tpu.memory_space<semaphore_mem>>)
      %dma_start3A_236 = arith.constant 8 : i32
      %dma_start3A_237 = arith.constant 1024 : i32
      %dma_start3A_238 = arith.constant 0 : i32
      %dma_start3A_239 = tpu.memref_slice %arg14[%dma_start3A_237, %dma_start3A_238] : memref<3328x16xf32, #tpu.memory_space<vmem>> -> memref<128x16xf32, #tpu.memory_space<vmem>>
      %dma_start3A_240 = arith.constant 0 : i32
      %dma_start3A_241 = tpu.memref_slice %arg10[%dma_start3A_236, %dma_start3A_240] : memref<26x128xi32, #tpu.memory_space<vmem>> -> memref<1x128xi32, #tpu.memory_space<vmem>>
      %dma_start3A_242 = tpu.memref_squeeze %dma_start3A_241 : memref<1x128xi32, #tpu.memory_space<vmem>> -> memref<128xi32, #tpu.memory_space<vmem>>
      %dma_start3A_243 = arith.constant 0 : i32
      %dma_start3A_244 = arith.constant 0 : i32
      %dma_start3A_245 = tpu.memref_slice %arg2[%dma_start3A_243, %dma_start3A_244] : memref<2600026x16xf32, #tpu.memory_space<hbm>> -> memref<2600026x16xf32, #tpu.memory_space<hbm>>
      tpu.enqueue_indirect_dma source(%dma_start3A_245 : memref<2600026x16xf32, #tpu.memory_space<hbm>>) target(%dma_start3A_239 : memref<128x16xf32, #tpu.memory_space<vmem>>) offsets(%dma_start3A_242 : memref<128xi32, #tpu.memory_space<vmem>>) semaphore(%arg17 : memref<!tpu.dma_semaphore, #tpu.memory_space<semaphore_mem>>)
      %dma_start3A_246 = arith.constant 9 : i32
      %dma_start3A_247 = arith.constant 1152 : i32
      %dma_start3A_248 = arith.constant 0 : i32
      %dma_start3A_249 = tpu.memref_slice %arg14[%dma_start3A_247, %dma_start3A_248] : memref<3328x16xf32, #tpu.memory_space<vmem>> -> memref<128x16xf32, #tpu.memory_space<vmem>>
      %dma_start3A_250 = arith.constant 0 : i32
      %dma_start3A_251 = tpu.memref_slice %arg10[%dma_start3A_246, %dma_start3A_250] : memref<26x128xi32, #tpu.memory_space<vmem>> -> memref<1x128xi32, #tpu.memory_space<vmem>>
      %dma_start3A_252 = tpu.memref_squeeze %dma_start3A_251 : memref<1x128xi32, #tpu.memory_space<vmem>> -> memref<128xi32, #tpu.memory_space<vmem>>
      %dma_start3A_253 = arith.constant 0 : i32
      %dma_start3A_254 = arith.constant 0 : i32
      %dma_start3A_255 = tpu.memref_slice %arg2[%dma_start3A_253, %dma_start3A_254] : memref<2600026x16xf32, #tpu.memory_space<hbm>> -> memref<2600026x16xf32, #tpu.memory_space<hbm>>
      tpu.enqueue_indirect_dma source(%dma_start3A_255 : memref<2600026x16xf32, #tpu.memory_space<hbm>>) target(%dma_start3A_249 : memref<128x16xf32, #tpu.memory_space<vmem>>) offsets(%dma_start3A_252 : memref<128xi32, #tpu.memory_space<vmem>>) semaphore(%arg17 : memref<!tpu.dma_semaphore, #tpu.memory_space<semaphore_mem>>)
      %dma_start3A_256 = arith.constant 10 : i32
      %dma_start3A_257 = arith.constant 1280 : i32
      %dma_start3A_258 = arith.constant 0 : i32
      %dma_start3A_259 = tpu.memref_slice %arg14[%dma_start3A_257, %dma_start3A_258] : memref<3328x16xf32, #tpu.memory_space<vmem>> -> memref<128x16xf32, #tpu.memory_space<vmem>>
      %dma_start3A_260 = arith.constant 0 : i32
      %dma_start3A_261 = tpu.memref_slice %arg10[%dma_start3A_256, %dma_start3A_260] : memref<26x128xi32, #tpu.memory_space<vmem>> -> memref<1x128xi32, #tpu.memory_space<vmem>>
      %dma_start3A_262 = tpu.memref_squeeze %dma_start3A_261 : memref<1x128xi32, #tpu.memory_space<vmem>> -> memref<128xi32, #tpu.memory_space<vmem>>
      %dma_start3A_263 = arith.constant 0 : i32
      %dma_start3A_264 = arith.constant 0 : i32
      %dma_start3A_265 = tpu.memref_slice %arg2[%dma_start3A_263, %dma_start3A_264] : memref<2600026x16xf32, #tpu.memory_space<hbm>> -> memref<2600026x16xf32, #tpu.memory_space<hbm>>
      tpu.enqueue_indirect_dma source(%dma_start3A_265 : memref<2600026x16xf32, #tpu.memory_space<hbm>>) target(%dma_start3A_259 : memref<128x16xf32, #tpu.memory_space<vmem>>) offsets(%dma_start3A_262 : memref<128xi32, #tpu.memory_space<vmem>>) semaphore(%arg17 : memref<!tpu.dma_semaphore, #tpu.memory_space<semaphore_mem>>)
      %dma_start3A_266 = arith.constant 11 : i32
      %dma_start3A_267 = arith.constant 1408 : i32
      %dma_start3A_268 = arith.constant 0 : i32
      %dma_start3A_269 = tpu.memref_slice %arg14[%dma_start3A_267, %dma_start3A_268] : memref<3328x16xf32, #tpu.memory_space<vmem>> -> memref<128x16xf32, #tpu.memory_space<vmem>>
      %dma_start3A_270 = arith.constant 0 : i32
      %dma_start3A_271 = tpu.memref_slice %arg10[%dma_start3A_266, %dma_start3A_270] : memref<26x128xi32, #tpu.memory_space<vmem>> -> memref<1x128xi32, #tpu.memory_space<vmem>>
      %dma_start3A_272 = tpu.memref_squeeze %dma_start3A_271 : memref<1x128xi32, #tpu.memory_space<vmem>> -> memref<128xi32, #tpu.memory_space<vmem>>
      %dma_start3A_273 = arith.constant 0 : i32
      %dma_start3A_274 = arith.constant 0 : i32
      %dma_start3A_275 = tpu.memref_slice %arg2[%dma_start3A_273, %dma_start3A_274] : memref<2600026x16xf32, #tpu.memory_space<hbm>> -> memref<2600026x16xf32, #tpu.memory_space<hbm>>
      tpu.enqueue_indirect_dma source(%dma_start3A_275 : memref<2600026x16xf32, #tpu.memory_space<hbm>>) target(%dma_start3A_269 : memref<128x16xf32, #tpu.memory_space<vmem>>) offsets(%dma_start3A_272 : memref<128xi32, #tpu.memory_space<vmem>>) semaphore(%arg17 : memref<!tpu.dma_semaphore, #tpu.memory_space<semaphore_mem>>)
      %dma_start3A_276 = arith.constant 12 : i32
      %dma_start3A_277 = arith.constant 1536 : i32
      %dma_start3A_278 = arith.constant 0 : i32
      %dma_start3A_279 = tpu.memref_slice %arg14[%dma_start3A_277, %dma_start3A_278] : memref<3328x16xf32, #tpu.memory_space<vmem>> -> memref<128x16xf32, #tpu.memory_space<vmem>>
      %dma_start3A_280 = arith.constant 0 : i32
      %dma_start3A_281 = tpu.memref_slice %arg10[%dma_start3A_276, %dma_start3A_280] : memref<26x128xi32, #tpu.memory_space<vmem>> -> memref<1x128xi32, #tpu.memory_space<vmem>>
      %dma_start3A_282 = tpu.memref_squeeze %dma_start3A_281 : memref<1x128xi32, #tpu.memory_space<vmem>> -> memref<128xi32, #tpu.memory_space<vmem>>
      %dma_start3A_283 = arith.constant 0 : i32
      %dma_start3A_284 = arith.constant 0 : i32
      %dma_start3A_285 = tpu.memref_slice %arg2[%dma_start3A_283, %dma_start3A_284] : memref<2600026x16xf32, #tpu.memory_space<hbm>> -> memref<2600026x16xf32, #tpu.memory_space<hbm>>
      tpu.enqueue_indirect_dma source(%dma_start3A_285 : memref<2600026x16xf32, #tpu.memory_space<hbm>>) target(%dma_start3A_279 : memref<128x16xf32, #tpu.memory_space<vmem>>) offsets(%dma_start3A_282 : memref<128xi32, #tpu.memory_space<vmem>>) semaphore(%arg17 : memref<!tpu.dma_semaphore, #tpu.memory_space<semaphore_mem>>)
      %dma_start3A_286 = arith.constant 13 : i32
      %dma_start3A_287 = arith.constant 1664 : i32
      %dma_start3A_288 = arith.constant 0 : i32
      %dma_start3A_289 = tpu.memref_slice %arg14[%dma_start3A_287, %dma_start3A_288] : memref<3328x16xf32, #tpu.memory_space<vmem>> -> memref<128x16xf32, #tpu.memory_space<vmem>>
      %dma_start3A_290 = arith.constant 0 : i32
      %dma_start3A_291 = tpu.memref_slice %arg10[%dma_start3A_286, %dma_start3A_290] : memref<26x128xi32, #tpu.memory_space<vmem>> -> memref<1x128xi32, #tpu.memory_space<vmem>>
      %dma_start3A_292 = tpu.memref_squeeze %dma_start3A_291 : memref<1x128xi32, #tpu.memory_space<vmem>> -> memref<128xi32, #tpu.memory_space<vmem>>
      %dma_start3A_293 = arith.constant 0 : i32
      %dma_start3A_294 = arith.constant 0 : i32
      %dma_start3A_295 = tpu.memref_slice %arg2[%dma_start3A_293, %dma_start3A_294] : memref<2600026x16xf32, #tpu.memory_space<hbm>> -> memref<2600026x16xf32, #tpu.memory_space<hbm>>
      tpu.enqueue_indirect_dma source(%dma_start3A_295 : memref<2600026x16xf32, #tpu.memory_space<hbm>>) target(%dma_start3A_289 : memref<128x16xf32, #tpu.memory_space<vmem>>) offsets(%dma_start3A_292 : memref<128xi32, #tpu.memory_space<vmem>>) semaphore(%arg17 : memref<!tpu.dma_semaphore, #tpu.memory_space<semaphore_mem>>)
      %dma_start3A_296 = arith.constant 14 : i32
      %dma_start3A_297 = arith.constant 1792 : i32
      %dma_start3A_298 = arith.constant 0 : i32
      %dma_start3A_299 = tpu.memref_slice %arg14[%dma_start3A_297, %dma_start3A_298] : memref<3328x16xf32, #tpu.memory_space<vmem>> -> memref<128x16xf32, #tpu.memory_space<vmem>>
      %dma_start3A_300 = arith.constant 0 : i32
      %dma_start3A_301 = tpu.memref_slice %arg10[%dma_start3A_296, %dma_start3A_300] : memref<26x128xi32, #tpu.memory_space<vmem>> -> memref<1x128xi32, #tpu.memory_space<vmem>>
      %dma_start3A_302 = tpu.memref_squeeze %dma_start3A_301 : memref<1x128xi32, #tpu.memory_space<vmem>> -> memref<128xi32, #tpu.memory_space<vmem>>
      %dma_start3A_303 = arith.constant 0 : i32
      %dma_start3A_304 = arith.constant 0 : i32
      %dma_start3A_305 = tpu.memref_slice %arg2[%dma_start3A_303, %dma_start3A_304] : memref<2600026x16xf32, #tpu.memory_space<hbm>> -> memref<2600026x16xf32, #tpu.memory_space<hbm>>
      tpu.enqueue_indirect_dma source(%dma_start3A_305 : memref<2600026x16xf32, #tpu.memory_space<hbm>>) target(%dma_start3A_299 : memref<128x16xf32, #tpu.memory_space<vmem>>) offsets(%dma_start3A_302 : memref<128xi32, #tpu.memory_space<vmem>>) semaphore(%arg17 : memref<!tpu.dma_semaphore, #tpu.memory_space<semaphore_mem>>)
      %dma_start3A_306 = arith.constant 15 : i32
      %dma_start3A_307 = arith.constant 1920 : i32
      %dma_start3A_308 = arith.constant 0 : i32
      %dma_start3A_309 = tpu.memref_slice %arg14[%dma_start3A_307, %dma_start3A_308] : memref<3328x16xf32, #tpu.memory_space<vmem>> -> memref<128x16xf32, #tpu.memory_space<vmem>>
      %dma_start3A_310 = arith.constant 0 : i32
      %dma_start3A_311 = tpu.memref_slice %arg10[%dma_start3A_306, %dma_start3A_310] : memref<26x128xi32, #tpu.memory_space<vmem>> -> memref<1x128xi32, #tpu.memory_space<vmem>>
      %dma_start3A_312 = tpu.memref_squeeze %dma_start3A_311 : memref<1x128xi32, #tpu.memory_space<vmem>> -> memref<128xi32, #tpu.memory_space<vmem>>
      %dma_start3A_313 = arith.constant 0 : i32
      %dma_start3A_314 = arith.constant 0 : i32
      %dma_start3A_315 = tpu.memref_slice %arg2[%dma_start3A_313, %dma_start3A_314] : memref<2600026x16xf32, #tpu.memory_space<hbm>> -> memref<2600026x16xf32, #tpu.memory_space<hbm>>
      tpu.enqueue_indirect_dma source(%dma_start3A_315 : memref<2600026x16xf32, #tpu.memory_space<hbm>>) target(%dma_start3A_309 : memref<128x16xf32, #tpu.memory_space<vmem>>) offsets(%dma_start3A_312 : memref<128xi32, #tpu.memory_space<vmem>>) semaphore(%arg17 : memref<!tpu.dma_semaphore, #tpu.memory_space<semaphore_mem>>)
      %dma_start3A_316 = arith.constant 16 : i32
      %dma_start3A_317 = arith.constant 2048 : i32
      %dma_start3A_318 = arith.constant 0 : i32
      %dma_start3A_319 = tpu.memref_slice %arg14[%dma_start3A_317, %dma_start3A_318] : memref<3328x16xf32, #tpu.memory_space<vmem>> -> memref<128x16xf32, #tpu.memory_space<vmem>>
      %dma_start3A_320 = arith.constant 0 : i32
      %dma_start3A_321 = tpu.memref_slice %arg10[%dma_start3A_316, %dma_start3A_320] : memref<26x128xi32, #tpu.memory_space<vmem>> -> memref<1x128xi32, #tpu.memory_space<vmem>>
      %dma_start3A_322 = tpu.memref_squeeze %dma_start3A_321 : memref<1x128xi32, #tpu.memory_space<vmem>> -> memref<128xi32, #tpu.memory_space<vmem>>
      %dma_start3A_323 = arith.constant 0 : i32
      %dma_start3A_324 = arith.constant 0 : i32
      %dma_start3A_325 = tpu.memref_slice %arg2[%dma_start3A_323, %dma_start3A_324] : memref<2600026x16xf32, #tpu.memory_space<hbm>> -> memref<2600026x16xf32, #tpu.memory_space<hbm>>
      tpu.enqueue_indirect_dma source(%dma_start3A_325 : memref<2600026x16xf32, #tpu.memory_space<hbm>>) target(%dma_start3A_319 : memref<128x16xf32, #tpu.memory_space<vmem>>) offsets(%dma_start3A_322 : memref<128xi32, #tpu.memory_space<vmem>>) semaphore(%arg17 : memref<!tpu.dma_semaphore, #tpu.memory_space<semaphore_mem>>)
      %dma_start3A_326 = arith.constant 17 : i32
      %dma_start3A_327 = arith.constant 2176 : i32
      %dma_start3A_328 = arith.constant 0 : i32
      %dma_start3A_329 = tpu.memref_slice %arg14[%dma_start3A_327, %dma_start3A_328] : memref<3328x16xf32, #tpu.memory_space<vmem>> -> memref<128x16xf32, #tpu.memory_space<vmem>>
      %dma_start3A_330 = arith.constant 0 : i32
      %dma_start3A_331 = tpu.memref_slice %arg10[%dma_start3A_326, %dma_start3A_330] : memref<26x128xi32, #tpu.memory_space<vmem>> -> memref<1x128xi32, #tpu.memory_space<vmem>>
      %dma_start3A_332 = tpu.memref_squeeze %dma_start3A_331 : memref<1x128xi32, #tpu.memory_space<vmem>> -> memref<128xi32, #tpu.memory_space<vmem>>
      %dma_start3A_333 = arith.constant 0 : i32
      %dma_start3A_334 = arith.constant 0 : i32
      %dma_start3A_335 = tpu.memref_slice %arg2[%dma_start3A_333, %dma_start3A_334] : memref<2600026x16xf32, #tpu.memory_space<hbm>> -> memref<2600026x16xf32, #tpu.memory_space<hbm>>
      tpu.enqueue_indirect_dma source(%dma_start3A_335 : memref<2600026x16xf32, #tpu.memory_space<hbm>>) target(%dma_start3A_329 : memref<128x16xf32, #tpu.memory_space<vmem>>) offsets(%dma_start3A_332 : memref<128xi32, #tpu.memory_space<vmem>>) semaphore(%arg17 : memref<!tpu.dma_semaphore, #tpu.memory_space<semaphore_mem>>)
      %dma_start3A_336 = arith.constant 18 : i32
      %dma_start3A_337 = arith.constant 2304 : i32
      %dma_start3A_338 = arith.constant 0 : i32
      %dma_start3A_339 = tpu.memref_slice %arg14[%dma_start3A_337, %dma_start3A_338] : memref<3328x16xf32, #tpu.memory_space<vmem>> -> memref<128x16xf32, #tpu.memory_space<vmem>>
      %dma_start3A_340 = arith.constant 0 : i32
      %dma_start3A_341 = tpu.memref_slice %arg10[%dma_start3A_336, %dma_start3A_340] : memref<26x128xi32, #tpu.memory_space<vmem>> -> memref<1x128xi32, #tpu.memory_space<vmem>>
      %dma_start3A_342 = tpu.memref_squeeze %dma_start3A_341 : memref<1x128xi32, #tpu.memory_space<vmem>> -> memref<128xi32, #tpu.memory_space<vmem>>
      %dma_start3A_343 = arith.constant 0 : i32
      %dma_start3A_344 = arith.constant 0 : i32
      %dma_start3A_345 = tpu.memref_slice %arg2[%dma_start3A_343, %dma_start3A_344] : memref<2600026x16xf32, #tpu.memory_space<hbm>> -> memref<2600026x16xf32, #tpu.memory_space<hbm>>
      tpu.enqueue_indirect_dma source(%dma_start3A_345 : memref<2600026x16xf32, #tpu.memory_space<hbm>>) target(%dma_start3A_339 : memref<128x16xf32, #tpu.memory_space<vmem>>) offsets(%dma_start3A_342 : memref<128xi32, #tpu.memory_space<vmem>>) semaphore(%arg17 : memref<!tpu.dma_semaphore, #tpu.memory_space<semaphore_mem>>)
      %dma_start3A_346 = arith.constant 19 : i32
      %dma_start3A_347 = arith.constant 2432 : i32
      %dma_start3A_348 = arith.constant 0 : i32
      %dma_start3A_349 = tpu.memref_slice %arg14[%dma_start3A_347, %dma_start3A_348] : memref<3328x16xf32, #tpu.memory_space<vmem>> -> memref<128x16xf32, #tpu.memory_space<vmem>>
      %dma_start3A_350 = arith.constant 0 : i32
      %dma_start3A_351 = tpu.memref_slice %arg10[%dma_start3A_346, %dma_start3A_350] : memref<26x128xi32, #tpu.memory_space<vmem>> -> memref<1x128xi32, #tpu.memory_space<vmem>>
      %dma_start3A_352 = tpu.memref_squeeze %dma_start3A_351 : memref<1x128xi32, #tpu.memory_space<vmem>> -> memref<128xi32, #tpu.memory_space<vmem>>
      %dma_start3A_353 = arith.constant 0 : i32
      %dma_start3A_354 = arith.constant 0 : i32
      %dma_start3A_355 = tpu.memref_slice %arg2[%dma_start3A_353, %dma_start3A_354] : memref<2600026x16xf32, #tpu.memory_space<hbm>> -> memref<2600026x16xf32, #tpu.memory_space<hbm>>
      tpu.enqueue_indirect_dma source(%dma_start3A_355 : memref<2600026x16xf32, #tpu.memory_space<hbm>>) target(%dma_start3A_349 : memref<128x16xf32, #tpu.memory_space<vmem>>) offsets(%dma_start3A_352 : memref<128xi32, #tpu.memory_space<vmem>>) semaphore(%arg17 : memref<!tpu.dma_semaphore, #tpu.memory_space<semaphore_mem>>)
      %dma_start3A_356 = arith.constant 20 : i32
      %dma_start3A_357 = arith.constant 2560 : i32
      %dma_start3A_358 = arith.constant 0 : i32
      %dma_start3A_359 = tpu.memref_slice %arg14[%dma_start3A_357, %dma_start3A_358] : memref<3328x16xf32, #tpu.memory_space<vmem>> -> memref<128x16xf32, #tpu.memory_space<vmem>>
      %dma_start3A_360 = arith.constant 0 : i32
      %dma_start3A_361 = tpu.memref_slice %arg10[%dma_start3A_356, %dma_start3A_360] : memref<26x128xi32, #tpu.memory_space<vmem>> -> memref<1x128xi32, #tpu.memory_space<vmem>>
      %dma_start3A_362 = tpu.memref_squeeze %dma_start3A_361 : memref<1x128xi32, #tpu.memory_space<vmem>> -> memref<128xi32, #tpu.memory_space<vmem>>
      %dma_start3A_363 = arith.constant 0 : i32
      %dma_start3A_364 = arith.constant 0 : i32
      %dma_start3A_365 = tpu.memref_slice %arg2[%dma_start3A_363, %dma_start3A_364] : memref<2600026x16xf32, #tpu.memory_space<hbm>> -> memref<2600026x16xf32, #tpu.memory_space<hbm>>
      tpu.enqueue_indirect_dma source(%dma_start3A_365 : memref<2600026x16xf32, #tpu.memory_space<hbm>>) target(%dma_start3A_359 : memref<128x16xf32, #tpu.memory_space<vmem>>) offsets(%dma_start3A_362 : memref<128xi32, #tpu.memory_space<vmem>>) semaphore(%arg17 : memref<!tpu.dma_semaphore, #tpu.memory_space<semaphore_mem>>)
      %dma_start3A_366 = arith.constant 21 : i32
      %dma_start3A_367 = arith.constant 2688 : i32
      %dma_start3A_368 = arith.constant 0 : i32
      %dma_start3A_369 = tpu.memref_slice %arg14[%dma_start3A_367, %dma_start3A_368] : memref<3328x16xf32, #tpu.memory_space<vmem>> -> memref<128x16xf32, #tpu.memory_space<vmem>>
      %dma_start3A_370 = arith.constant 0 : i32
      %dma_start3A_371 = tpu.memref_slice %arg10[%dma_start3A_366, %dma_start3A_370] : memref<26x128xi32, #tpu.memory_space<vmem>> -> memref<1x128xi32, #tpu.memory_space<vmem>>
      %dma_start3A_372 = tpu.memref_squeeze %dma_start3A_371 : memref<1x128xi32, #tpu.memory_space<vmem>> -> memref<128xi32, #tpu.memory_space<vmem>>
      %dma_start3A_373 = arith.constant 0 : i32
      %dma_start3A_374 = arith.constant 0 : i32
      %dma_start3A_375 = tpu.memref_slice %arg2[%dma_start3A_373, %dma_start3A_374] : memref<2600026x16xf32, #tpu.memory_space<hbm>> -> memref<2600026x16xf32, #tpu.memory_space<hbm>>
      tpu.enqueue_indirect_dma source(%dma_start3A_375 : memref<2600026x16xf32, #tpu.memory_space<hbm>>) target(%dma_start3A_369 : memref<128x16xf32, #tpu.memory_space<vmem>>) offsets(%dma_start3A_372 : memref<128xi32, #tpu.memory_space<vmem>>) semaphore(%arg17 : memref<!tpu.dma_semaphore, #tpu.memory_space<semaphore_mem>>)
      %dma_start3A_376 = arith.constant 22 : i32
      %dma_start3A_377 = arith.constant 2816 : i32
      %dma_start3A_378 = arith.constant 0 : i32
      %dma_start3A_379 = tpu.memref_slice %arg14[%dma_start3A_377, %dma_start3A_378] : memref<3328x16xf32, #tpu.memory_space<vmem>> -> memref<128x16xf32, #tpu.memory_space<vmem>>
      %dma_start3A_380 = arith.constant 0 : i32
      %dma_start3A_381 = tpu.memref_slice %arg10[%dma_start3A_376, %dma_start3A_380] : memref<26x128xi32, #tpu.memory_space<vmem>> -> memref<1x128xi32, #tpu.memory_space<vmem>>
      %dma_start3A_382 = tpu.memref_squeeze %dma_start3A_381 : memref<1x128xi32, #tpu.memory_space<vmem>> -> memref<128xi32, #tpu.memory_space<vmem>>
      %dma_start3A_383 = arith.constant 0 : i32
      %dma_start3A_384 = arith.constant 0 : i32
      %dma_start3A_385 = tpu.memref_slice %arg2[%dma_start3A_383, %dma_start3A_384] : memref<2600026x16xf32, #tpu.memory_space<hbm>> -> memref<2600026x16xf32, #tpu.memory_space<hbm>>
      tpu.enqueue_indirect_dma source(%dma_start3A_385 : memref<2600026x16xf32, #tpu.memory_space<hbm>>) target(%dma_start3A_379 : memref<128x16xf32, #tpu.memory_space<vmem>>) offsets(%dma_start3A_382 : memref<128xi32, #tpu.memory_space<vmem>>) semaphore(%arg17 : memref<!tpu.dma_semaphore, #tpu.memory_space<semaphore_mem>>)
      %dma_start3A_386 = arith.constant 23 : i32
      %dma_start3A_387 = arith.constant 2944 : i32
      %dma_start3A_388 = arith.constant 0 : i32
      %dma_start3A_389 = tpu.memref_slice %arg14[%dma_start3A_387, %dma_start3A_388] : memref<3328x16xf32, #tpu.memory_space<vmem>> -> memref<128x16xf32, #tpu.memory_space<vmem>>
      %dma_start3A_390 = arith.constant 0 : i32
      %dma_start3A_391 = tpu.memref_slice %arg10[%dma_start3A_386, %dma_start3A_390] : memref<26x128xi32, #tpu.memory_space<vmem>> -> memref<1x128xi32, #tpu.memory_space<vmem>>
      %dma_start3A_392 = tpu.memref_squeeze %dma_start3A_391 : memref<1x128xi32, #tpu.memory_space<vmem>> -> memref<128xi32, #tpu.memory_space<vmem>>
      %dma_start3A_393 = arith.constant 0 : i32
      %dma_start3A_394 = arith.constant 0 : i32
      %dma_start3A_395 = tpu.memref_slice %arg2[%dma_start3A_393, %dma_start3A_394] : memref<2600026x16xf32, #tpu.memory_space<hbm>> -> memref<2600026x16xf32, #tpu.memory_space<hbm>>
      tpu.enqueue_indirect_dma source(%dma_start3A_395 : memref<2600026x16xf32, #tpu.memory_space<hbm>>) target(%dma_start3A_389 : memref<128x16xf32, #tpu.memory_space<vmem>>) offsets(%dma_start3A_392 : memref<128xi32, #tpu.memory_space<vmem>>) semaphore(%arg17 : memref<!tpu.dma_semaphore, #tpu.memory_space<semaphore_mem>>)
      %dma_start3A_396 = arith.constant 24 : i32
      %dma_start3A_397 = arith.constant 3072 : i32
      %dma_start3A_398 = arith.constant 0 : i32
      %dma_start3A_399 = tpu.memref_slice %arg14[%dma_start3A_397, %dma_start3A_398] : memref<3328x16xf32, #tpu.memory_space<vmem>> -> memref<128x16xf32, #tpu.memory_space<vmem>>
      %dma_start3A_400 = arith.constant 0 : i32
      %dma_start3A_401 = tpu.memref_slice %arg10[%dma_start3A_396, %dma_start3A_400] : memref<26x128xi32, #tpu.memory_space<vmem>> -> memref<1x128xi32, #tpu.memory_space<vmem>>
      %dma_start3A_402 = tpu.memref_squeeze %dma_start3A_401 : memref<1x128xi32, #tpu.memory_space<vmem>> -> memref<128xi32, #tpu.memory_space<vmem>>
      %dma_start3A_403 = arith.constant 0 : i32
      %dma_start3A_404 = arith.constant 0 : i32
      %dma_start3A_405 = tpu.memref_slice %arg2[%dma_start3A_403, %dma_start3A_404] : memref<2600026x16xf32, #tpu.memory_space<hbm>> -> memref<2600026x16xf32, #tpu.memory_space<hbm>>
      tpu.enqueue_indirect_dma source(%dma_start3A_405 : memref<2600026x16xf32, #tpu.memory_space<hbm>>) target(%dma_start3A_399 : memref<128x16xf32, #tpu.memory_space<vmem>>) offsets(%dma_start3A_402 : memref<128xi32, #tpu.memory_space<vmem>>) semaphore(%arg17 : memref<!tpu.dma_semaphore, #tpu.memory_space<semaphore_mem>>)
      %dma_start3A_406 = arith.constant 25 : i32
      %dma_start3A_407 = arith.constant 3200 : i32
      %dma_start3A_408 = arith.constant 0 : i32
      %dma_start3A_409 = tpu.memref_slice %arg14[%dma_start3A_407, %dma_start3A_408] : memref<3328x16xf32, #tpu.memory_space<vmem>> -> memref<128x16xf32, #tpu.memory_space<vmem>>
      %dma_start3A_410 = arith.constant 0 : i32
      %dma_start3A_411 = tpu.memref_slice %arg10[%dma_start3A_406, %dma_start3A_410] : memref<26x128xi32, #tpu.memory_space<vmem>> -> memref<1x128xi32, #tpu.memory_space<vmem>>
      %dma_start3A_412 = tpu.memref_squeeze %dma_start3A_411 : memref<1x128xi32, #tpu.memory_space<vmem>> -> memref<128xi32, #tpu.memory_space<vmem>>
      %dma_start3A_413 = arith.constant 0 : i32
      %dma_start3A_414 = arith.constant 0 : i32
      %dma_start3A_415 = tpu.memref_slice %arg2[%dma_start3A_413, %dma_start3A_414] : memref<2600026x16xf32, #tpu.memory_space<hbm>> -> memref<2600026x16xf32, #tpu.memory_space<hbm>>
      tpu.enqueue_indirect_dma source(%dma_start3A_415 : memref<2600026x16xf32, #tpu.memory_space<hbm>>) target(%dma_start3A_409 : memref<128x16xf32, #tpu.memory_space<vmem>>) offsets(%dma_start3A_412 : memref<128xi32, #tpu.memory_space<vmem>>) semaphore(%arg17 : memref<!tpu.dma_semaphore, #tpu.memory_space<semaphore_mem>>)
      %dma_wait3A = arith.constant 0 : i32
      %dma_wait3A_416 = arith.constant 0 : i32
      %dma_wait3A_417 = arith.constant 0 : i32
      %dma_wait3A_418 = tpu.memref_slice %arg14[%dma_wait3A_416, %dma_wait3A_417] : memref<3328x16xf32, #tpu.memory_space<vmem>> -> memref<128x16xf32, #tpu.memory_space<vmem>>
      %dma_wait3A_419 = arith.constant 0 : i32
      %dma_wait3A_420 = tpu.memref_slice %arg10[%dma_wait3A, %dma_wait3A_419] : memref<26x128xi32, #tpu.memory_space<vmem>> -> memref<1x128xi32, #tpu.memory_space<vmem>>
      %dma_wait3A_421 = tpu.memref_squeeze %dma_wait3A_420 : memref<1x128xi32, #tpu.memory_space<vmem>> -> memref<128xi32, #tpu.memory_space<vmem>>
      %dma_wait3A_422 = arith.constant 0 : i32
      %dma_wait3A_423 = arith.constant 0 : i32
      %dma_wait3A_424 = tpu.memref_slice %arg2[%dma_wait3A_422, %dma_wait3A_423] : memref<2600026x16xf32, #tpu.memory_space<hbm>> -> memref<2600026x16xf32, #tpu.memory_space<hbm>>
      tpu.wait_indirect_dma semaphore(%arg17 : memref<!tpu.dma_semaphore, #tpu.memory_space<semaphore_mem>>) src(%dma_wait3A_424 : memref<2600026x16xf32, #tpu.memory_space<hbm>>) dst(%dma_wait3A_418 : memref<128x16xf32, #tpu.memory_space<vmem>>)
      %dma_wait3A_425 = arith.constant 1 : i32
      %dma_wait3A_426 = arith.constant 128 : i32
      %dma_wait3A_427 = arith.constant 0 : i32
      %dma_wait3A_428 = tpu.memref_slice %arg14[%dma_wait3A_426, %dma_wait3A_427] : memref<3328x16xf32, #tpu.memory_space<vmem>> -> memref<128x16xf32, #tpu.memory_space<vmem>>
      %dma_wait3A_429 = arith.constant 0 : i32
      %dma_wait3A_430 = tpu.memref_slice %arg10[%dma_wait3A_425, %dma_wait3A_429] : memref<26x128xi32, #tpu.memory_space<vmem>> -> memref<1x128xi32, #tpu.memory_space<vmem>>
      %dma_wait3A_431 = tpu.memref_squeeze %dma_wait3A_430 : memref<1x128xi32, #tpu.memory_space<vmem>> -> memref<128xi32, #tpu.memory_space<vmem>>
      %dma_wait3A_432 = arith.constant 0 : i32
      %dma_wait3A_433 = arith.constant 0 : i32
      %dma_wait3A_434 = tpu.memref_slice %arg2[%dma_wait3A_432, %dma_wait3A_433] : memref<2600026x16xf32, #tpu.memory_space<hbm>> -> memref<2600026x16xf32, #tpu.memory_space<hbm>>
      tpu.wait_indirect_dma semaphore(%arg17 : memref<!tpu.dma_semaphore, #tpu.memory_space<semaphore_mem>>) src(%dma_wait3A_434 : memref<2600026x16xf32, #tpu.memory_space<hbm>>) dst(%dma_wait3A_428 : memref<128x16xf32, #tpu.memory_space<vmem>>)
      %dma_wait3A_435 = arith.constant 2 : i32
      %dma_wait3A_436 = arith.constant 256 : i32
      %dma_wait3A_437 = arith.constant 0 : i32
      %dma_wait3A_438 = tpu.memref_slice %arg14[%dma_wait3A_436, %dma_wait3A_437] : memref<3328x16xf32, #tpu.memory_space<vmem>> -> memref<128x16xf32, #tpu.memory_space<vmem>>
      %dma_wait3A_439 = arith.constant 0 : i32
      %dma_wait3A_440 = tpu.memref_slice %arg10[%dma_wait3A_435, %dma_wait3A_439] : memref<26x128xi32, #tpu.memory_space<vmem>> -> memref<1x128xi32, #tpu.memory_space<vmem>>
      %dma_wait3A_441 = tpu.memref_squeeze %dma_wait3A_440 : memref<1x128xi32, #tpu.memory_space<vmem>> -> memref<128xi32, #tpu.memory_space<vmem>>
      %dma_wait3A_442 = arith.constant 0 : i32
      %dma_wait3A_443 = arith.constant 0 : i32
      %dma_wait3A_444 = tpu.memref_slice %arg2[%dma_wait3A_442, %dma_wait3A_443] : memref<2600026x16xf32, #tpu.memory_space<hbm>> -> memref<2600026x16xf32, #tpu.memory_space<hbm>>
      tpu.wait_indirect_dma semaphore(%arg17 : memref<!tpu.dma_semaphore, #tpu.memory_space<semaphore_mem>>) src(%dma_wait3A_444 : memref<2600026x16xf32, #tpu.memory_space<hbm>>) dst(%dma_wait3A_438 : memref<128x16xf32, #tpu.memory_space<vmem>>)
      %dma_wait3A_445 = arith.constant 3 : i32
      %dma_wait3A_446 = arith.constant 384 : i32
      %dma_wait3A_447 = arith.constant 0 : i32
      %dma_wait3A_448 = tpu.memref_slice %arg14[%dma_wait3A_446, %dma_wait3A_447] : memref<3328x16xf32, #tpu.memory_space<vmem>> -> memref<128x16xf32, #tpu.memory_space<vmem>>
      %dma_wait3A_449 = arith.constant 0 : i32
      %dma_wait3A_450 = tpu.memref_slice %arg10[%dma_wait3A_445, %dma_wait3A_449] : memref<26x128xi32, #tpu.memory_space<vmem>> -> memref<1x128xi32, #tpu.memory_space<vmem>>
      %dma_wait3A_451 = tpu.memref_squeeze %dma_wait3A_450 : memref<1x128xi32, #tpu.memory_space<vmem>> -> memref<128xi32, #tpu.memory_space<vmem>>
      %dma_wait3A_452 = arith.constant 0 : i32
      %dma_wait3A_453 = arith.constant 0 : i32
      %dma_wait3A_454 = tpu.memref_slice %arg2[%dma_wait3A_452, %dma_wait3A_453] : memref<2600026x16xf32, #tpu.memory_space<hbm>> -> memref<2600026x16xf32, #tpu.memory_space<hbm>>
      tpu.wait_indirect_dma semaphore(%arg17 : memref<!tpu.dma_semaphore, #tpu.memory_space<semaphore_mem>>) src(%dma_wait3A_454 : memref<2600026x16xf32, #tpu.memory_space<hbm>>) dst(%dma_wait3A_448 : memref<128x16xf32, #tpu.memory_space<vmem>>)
      %dma_wait3A_455 = arith.constant 4 : i32
      %dma_wait3A_456 = arith.constant 512 : i32
      %dma_wait3A_457 = arith.constant 0 : i32
      %dma_wait3A_458 = tpu.memref_slice %arg14[%dma_wait3A_456, %dma_wait3A_457] : memref<3328x16xf32, #tpu.memory_space<vmem>> -> memref<128x16xf32, #tpu.memory_space<vmem>>
      %dma_wait3A_459 = arith.constant 0 : i32
      %dma_wait3A_460 = tpu.memref_slice %arg10[%dma_wait3A_455, %dma_wait3A_459] : memref<26x128xi32, #tpu.memory_space<vmem>> -> memref<1x128xi32, #tpu.memory_space<vmem>>
      %dma_wait3A_461 = tpu.memref_squeeze %dma_wait3A_460 : memref<1x128xi32, #tpu.memory_space<vmem>> -> memref<128xi32, #tpu.memory_space<vmem>>
      %dma_wait3A_462 = arith.constant 0 : i32
      %dma_wait3A_463 = arith.constant 0 : i32
      %dma_wait3A_464 = tpu.memref_slice %arg2[%dma_wait3A_462, %dma_wait3A_463] : memref<2600026x16xf32, #tpu.memory_space<hbm>> -> memref<2600026x16xf32, #tpu.memory_space<hbm>>
      tpu.wait_indirect_dma semaphore(%arg17 : memref<!tpu.dma_semaphore, #tpu.memory_space<semaphore_mem>>) src(%dma_wait3A_464 : memref<2600026x16xf32, #tpu.memory_space<hbm>>) dst(%dma_wait3A_458 : memref<128x16xf32, #tpu.memory_space<vmem>>)
      %dma_wait3A_465 = arith.constant 5 : i32
      %dma_wait3A_466 = arith.constant 640 : i32
      %dma_wait3A_467 = arith.constant 0 : i32
      %dma_wait3A_468 = tpu.memref_slice %arg14[%dma_wait3A_466, %dma_wait3A_467] : memref<3328x16xf32, #tpu.memory_space<vmem>> -> memref<128x16xf32, #tpu.memory_space<vmem>>
      %dma_wait3A_469 = arith.constant 0 : i32
      %dma_wait3A_470 = tpu.memref_slice %arg10[%dma_wait3A_465, %dma_wait3A_469] : memref<26x128xi32, #tpu.memory_space<vmem>> -> memref<1x128xi32, #tpu.memory_space<vmem>>
      %dma_wait3A_471 = tpu.memref_squeeze %dma_wait3A_470 : memref<1x128xi32, #tpu.memory_space<vmem>> -> memref<128xi32, #tpu.memory_space<vmem>>
      %dma_wait3A_472 = arith.constant 0 : i32
      %dma_wait3A_473 = arith.constant 0 : i32
      %dma_wait3A_474 = tpu.memref_slice %arg2[%dma_wait3A_472, %dma_wait3A_473] : memref<2600026x16xf32, #tpu.memory_space<hbm>> -> memref<2600026x16xf32, #tpu.memory_space<hbm>>
      tpu.wait_indirect_dma semaphore(%arg17 : memref<!tpu.dma_semaphore, #tpu.memory_space<semaphore_mem>>) src(%dma_wait3A_474 : memref<2600026x16xf32, #tpu.memory_space<hbm>>) dst(%dma_wait3A_468 : memref<128x16xf32, #tpu.memory_space<vmem>>)
      %dma_wait3A_475 = arith.constant 6 : i32
      %dma_wait3A_476 = arith.constant 768 : i32
      %dma_wait3A_477 = arith.constant 0 : i32
      %dma_wait3A_478 = tpu.memref_slice %arg14[%dma_wait3A_476, %dma_wait3A_477] : memref<3328x16xf32, #tpu.memory_space<vmem>> -> memref<128x16xf32, #tpu.memory_space<vmem>>
      %dma_wait3A_479 = arith.constant 0 : i32
      %dma_wait3A_480 = tpu.memref_slice %arg10[%dma_wait3A_475, %dma_wait3A_479] : memref<26x128xi32, #tpu.memory_space<vmem>> -> memref<1x128xi32, #tpu.memory_space<vmem>>
      %dma_wait3A_481 = tpu.memref_squeeze %dma_wait3A_480 : memref<1x128xi32, #tpu.memory_space<vmem>> -> memref<128xi32, #tpu.memory_space<vmem>>
      %dma_wait3A_482 = arith.constant 0 : i32
      %dma_wait3A_483 = arith.constant 0 : i32
      %dma_wait3A_484 = tpu.memref_slice %arg2[%dma_wait3A_482, %dma_wait3A_483] : memref<2600026x16xf32, #tpu.memory_space<hbm>> -> memref<2600026x16xf32, #tpu.memory_space<hbm>>
      tpu.wait_indirect_dma semaphore(%arg17 : memref<!tpu.dma_semaphore, #tpu.memory_space<semaphore_mem>>) src(%dma_wait3A_484 : memref<2600026x16xf32, #tpu.memory_space<hbm>>) dst(%dma_wait3A_478 : memref<128x16xf32, #tpu.memory_space<vmem>>)
      %dma_wait3A_485 = arith.constant 7 : i32
      %dma_wait3A_486 = arith.constant 896 : i32
      %dma_wait3A_487 = arith.constant 0 : i32
      %dma_wait3A_488 = tpu.memref_slice %arg14[%dma_wait3A_486, %dma_wait3A_487] : memref<3328x16xf32, #tpu.memory_space<vmem>> -> memref<128x16xf32, #tpu.memory_space<vmem>>
      %dma_wait3A_489 = arith.constant 0 : i32
      %dma_wait3A_490 = tpu.memref_slice %arg10[%dma_wait3A_485, %dma_wait3A_489] : memref<26x128xi32, #tpu.memory_space<vmem>> -> memref<1x128xi32, #tpu.memory_space<vmem>>
      %dma_wait3A_491 = tpu.memref_squeeze %dma_wait3A_490 : memref<1x128xi32, #tpu.memory_space<vmem>> -> memref<128xi32, #tpu.memory_space<vmem>>
      %dma_wait3A_492 = arith.constant 0 : i32
      %dma_wait3A_493 = arith.constant 0 : i32
      %dma_wait3A_494 = tpu.memref_slice %arg2[%dma_wait3A_492, %dma_wait3A_493] : memref<2600026x16xf32, #tpu.memory_space<hbm>> -> memref<2600026x16xf32, #tpu.memory_space<hbm>>
      tpu.wait_indirect_dma semaphore(%arg17 : memref<!tpu.dma_semaphore, #tpu.memory_space<semaphore_mem>>) src(%dma_wait3A_494 : memref<2600026x16xf32, #tpu.memory_space<hbm>>) dst(%dma_wait3A_488 : memref<128x16xf32, #tpu.memory_space<vmem>>)
      %dma_wait3A_495 = arith.constant 8 : i32
      %dma_wait3A_496 = arith.constant 1024 : i32
      %dma_wait3A_497 = arith.constant 0 : i32
      %dma_wait3A_498 = tpu.memref_slice %arg14[%dma_wait3A_496, %dma_wait3A_497] : memref<3328x16xf32, #tpu.memory_space<vmem>> -> memref<128x16xf32, #tpu.memory_space<vmem>>
      %dma_wait3A_499 = arith.constant 0 : i32
      %dma_wait3A_500 = tpu.memref_slice %arg10[%dma_wait3A_495, %dma_wait3A_499] : memref<26x128xi32, #tpu.memory_space<vmem>> -> memref<1x128xi32, #tpu.memory_space<vmem>>
      %dma_wait3A_501 = tpu.memref_squeeze %dma_wait3A_500 : memref<1x128xi32, #tpu.memory_space<vmem>> -> memref<128xi32, #tpu.memory_space<vmem>>
      %dma_wait3A_502 = arith.constant 0 : i32
      %dma_wait3A_503 = arith.constant 0 : i32
      %dma_wait3A_504 = tpu.memref_slice %arg2[%dma_wait3A_502, %dma_wait3A_503] : memref<2600026x16xf32, #tpu.memory_space<hbm>> -> memref<2600026x16xf32, #tpu.memory_space<hbm>>
      tpu.wait_indirect_dma semaphore(%arg17 : memref<!tpu.dma_semaphore, #tpu.memory_space<semaphore_mem>>) src(%dma_wait3A_504 : memref<2600026x16xf32, #tpu.memory_space<hbm>>) dst(%dma_wait3A_498 : memref<128x16xf32, #tpu.memory_space<vmem>>)
      %dma_wait3A_505 = arith.constant 9 : i32
      %dma_wait3A_506 = arith.constant 1152 : i32
      %dma_wait3A_507 = arith.constant 0 : i32
      %dma_wait3A_508 = tpu.memref_slice %arg14[%dma_wait3A_506, %dma_wait3A_507] : memref<3328x16xf32, #tpu.memory_space<vmem>> -> memref<128x16xf32, #tpu.memory_space<vmem>>
      %dma_wait3A_509 = arith.constant 0 : i32
      %dma_wait3A_510 = tpu.memref_slice %arg10[%dma_wait3A_505, %dma_wait3A_509] : memref<26x128xi32, #tpu.memory_space<vmem>> -> memref<1x128xi32, #tpu.memory_space<vmem>>
      %dma_wait3A_511 = tpu.memref_squeeze %dma_wait3A_510 : memref<1x128xi32, #tpu.memory_space<vmem>> -> memref<128xi32, #tpu.memory_space<vmem>>
      %dma_wait3A_512 = arith.constant 0 : i32
      %dma_wait3A_513 = arith.constant 0 : i32
      %dma_wait3A_514 = tpu.memref_slice %arg2[%dma_wait3A_512, %dma_wait3A_513] : memref<2600026x16xf32, #tpu.memory_space<hbm>> -> memref<2600026x16xf32, #tpu.memory_space<hbm>>
      tpu.wait_indirect_dma semaphore(%arg17 : memref<!tpu.dma_semaphore, #tpu.memory_space<semaphore_mem>>) src(%dma_wait3A_514 : memref<2600026x16xf32, #tpu.memory_space<hbm>>) dst(%dma_wait3A_508 : memref<128x16xf32, #tpu.memory_space<vmem>>)
      %dma_wait3A_515 = arith.constant 10 : i32
      %dma_wait3A_516 = arith.constant 1280 : i32
      %dma_wait3A_517 = arith.constant 0 : i32
      %dma_wait3A_518 = tpu.memref_slice %arg14[%dma_wait3A_516, %dma_wait3A_517] : memref<3328x16xf32, #tpu.memory_space<vmem>> -> memref<128x16xf32, #tpu.memory_space<vmem>>
      %dma_wait3A_519 = arith.constant 0 : i32
      %dma_wait3A_520 = tpu.memref_slice %arg10[%dma_wait3A_515, %dma_wait3A_519] : memref<26x128xi32, #tpu.memory_space<vmem>> -> memref<1x128xi32, #tpu.memory_space<vmem>>
      %dma_wait3A_521 = tpu.memref_squeeze %dma_wait3A_520 : memref<1x128xi32, #tpu.memory_space<vmem>> -> memref<128xi32, #tpu.memory_space<vmem>>
      %dma_wait3A_522 = arith.constant 0 : i32
      %dma_wait3A_523 = arith.constant 0 : i32
      %dma_wait3A_524 = tpu.memref_slice %arg2[%dma_wait3A_522, %dma_wait3A_523] : memref<2600026x16xf32, #tpu.memory_space<hbm>> -> memref<2600026x16xf32, #tpu.memory_space<hbm>>
      tpu.wait_indirect_dma semaphore(%arg17 : memref<!tpu.dma_semaphore, #tpu.memory_space<semaphore_mem>>) src(%dma_wait3A_524 : memref<2600026x16xf32, #tpu.memory_space<hbm>>) dst(%dma_wait3A_518 : memref<128x16xf32, #tpu.memory_space<vmem>>)
      %dma_wait3A_525 = arith.constant 11 : i32
      %dma_wait3A_526 = arith.constant 1408 : i32
      %dma_wait3A_527 = arith.constant 0 : i32
      %dma_wait3A_528 = tpu.memref_slice %arg14[%dma_wait3A_526, %dma_wait3A_527] : memref<3328x16xf32, #tpu.memory_space<vmem>> -> memref<128x16xf32, #tpu.memory_space<vmem>>
      %dma_wait3A_529 = arith.constant 0 : i32
      %dma_wait3A_530 = tpu.memref_slice %arg10[%dma_wait3A_525, %dma_wait3A_529] : memref<26x128xi32, #tpu.memory_space<vmem>> -> memref<1x128xi32, #tpu.memory_space<vmem>>
      %dma_wait3A_531 = tpu.memref_squeeze %dma_wait3A_530 : memref<1x128xi32, #tpu.memory_space<vmem>> -> memref<128xi32, #tpu.memory_space<vmem>>
      %dma_wait3A_532 = arith.constant 0 : i32
      %dma_wait3A_533 = arith.constant 0 : i32
      %dma_wait3A_534 = tpu.memref_slice %arg2[%dma_wait3A_532, %dma_wait3A_533] : memref<2600026x16xf32, #tpu.memory_space<hbm>> -> memref<2600026x16xf32, #tpu.memory_space<hbm>>
      tpu.wait_indirect_dma semaphore(%arg17 : memref<!tpu.dma_semaphore, #tpu.memory_space<semaphore_mem>>) src(%dma_wait3A_534 : memref<2600026x16xf32, #tpu.memory_space<hbm>>) dst(%dma_wait3A_528 : memref<128x16xf32, #tpu.memory_space<vmem>>)
      %dma_wait3A_535 = arith.constant 12 : i32
      %dma_wait3A_536 = arith.constant 1536 : i32
      %dma_wait3A_537 = arith.constant 0 : i32
      %dma_wait3A_538 = tpu.memref_slice %arg14[%dma_wait3A_536, %dma_wait3A_537] : memref<3328x16xf32, #tpu.memory_space<vmem>> -> memref<128x16xf32, #tpu.memory_space<vmem>>
      %dma_wait3A_539 = arith.constant 0 : i32
      %dma_wait3A_540 = tpu.memref_slice %arg10[%dma_wait3A_535, %dma_wait3A_539] : memref<26x128xi32, #tpu.memory_space<vmem>> -> memref<1x128xi32, #tpu.memory_space<vmem>>
      %dma_wait3A_541 = tpu.memref_squeeze %dma_wait3A_540 : memref<1x128xi32, #tpu.memory_space<vmem>> -> memref<128xi32, #tpu.memory_space<vmem>>
      %dma_wait3A_542 = arith.constant 0 : i32
      %dma_wait3A_543 = arith.constant 0 : i32
      %dma_wait3A_544 = tpu.memref_slice %arg2[%dma_wait3A_542, %dma_wait3A_543] : memref<2600026x16xf32, #tpu.memory_space<hbm>> -> memref<2600026x16xf32, #tpu.memory_space<hbm>>
      tpu.wait_indirect_dma semaphore(%arg17 : memref<!tpu.dma_semaphore, #tpu.memory_space<semaphore_mem>>) src(%dma_wait3A_544 : memref<2600026x16xf32, #tpu.memory_space<hbm>>) dst(%dma_wait3A_538 : memref<128x16xf32, #tpu.memory_space<vmem>>)
      %dma_wait3A_545 = arith.constant 13 : i32
      %dma_wait3A_546 = arith.constant 1664 : i32
      %dma_wait3A_547 = arith.constant 0 : i32
      %dma_wait3A_548 = tpu.memref_slice %arg14[%dma_wait3A_546, %dma_wait3A_547] : memref<3328x16xf32, #tpu.memory_space<vmem>> -> memref<128x16xf32, #tpu.memory_space<vmem>>
      %dma_wait3A_549 = arith.constant 0 : i32
      %dma_wait3A_550 = tpu.memref_slice %arg10[%dma_wait3A_545, %dma_wait3A_549] : memref<26x128xi32, #tpu.memory_space<vmem>> -> memref<1x128xi32, #tpu.memory_space<vmem>>
      %dma_wait3A_551 = tpu.memref_squeeze %dma_wait3A_550 : memref<1x128xi32, #tpu.memory_space<vmem>> -> memref<128xi32, #tpu.memory_space<vmem>>
      %dma_wait3A_552 = arith.constant 0 : i32
      %dma_wait3A_553 = arith.constant 0 : i32
      %dma_wait3A_554 = tpu.memref_slice %arg2[%dma_wait3A_552, %dma_wait3A_553] : memref<2600026x16xf32, #tpu.memory_space<hbm>> -> memref<2600026x16xf32, #tpu.memory_space<hbm>>
      tpu.wait_indirect_dma semaphore(%arg17 : memref<!tpu.dma_semaphore, #tpu.memory_space<semaphore_mem>>) src(%dma_wait3A_554 : memref<2600026x16xf32, #tpu.memory_space<hbm>>) dst(%dma_wait3A_548 : memref<128x16xf32, #tpu.memory_space<vmem>>)
      %dma_wait3A_555 = arith.constant 14 : i32
      %dma_wait3A_556 = arith.constant 1792 : i32
      %dma_wait3A_557 = arith.constant 0 : i32
      %dma_wait3A_558 = tpu.memref_slice %arg14[%dma_wait3A_556, %dma_wait3A_557] : memref<3328x16xf32, #tpu.memory_space<vmem>> -> memref<128x16xf32, #tpu.memory_space<vmem>>
      %dma_wait3A_559 = arith.constant 0 : i32
      %dma_wait3A_560 = tpu.memref_slice %arg10[%dma_wait3A_555, %dma_wait3A_559] : memref<26x128xi32, #tpu.memory_space<vmem>> -> memref<1x128xi32, #tpu.memory_space<vmem>>
      %dma_wait3A_561 = tpu.memref_squeeze %dma_wait3A_560 : memref<1x128xi32, #tpu.memory_space<vmem>> -> memref<128xi32, #tpu.memory_space<vmem>>
      %dma_wait3A_562 = arith.constant 0 : i32
      %dma_wait3A_563 = arith.constant 0 : i32
      %dma_wait3A_564 = tpu.memref_slice %arg2[%dma_wait3A_562, %dma_wait3A_563] : memref<2600026x16xf32, #tpu.memory_space<hbm>> -> memref<2600026x16xf32, #tpu.memory_space<hbm>>
      tpu.wait_indirect_dma semaphore(%arg17 : memref<!tpu.dma_semaphore, #tpu.memory_space<semaphore_mem>>) src(%dma_wait3A_564 : memref<2600026x16xf32, #tpu.memory_space<hbm>>) dst(%dma_wait3A_558 : memref<128x16xf32, #tpu.memory_space<vmem>>)
      %dma_wait3A_565 = arith.constant 15 : i32
      %dma_wait3A_566 = arith.constant 1920 : i32
      %dma_wait3A_567 = arith.constant 0 : i32
      %dma_wait3A_568 = tpu.memref_slice %arg14[%dma_wait3A_566, %dma_wait3A_567] : memref<3328x16xf32, #tpu.memory_space<vmem>> -> memref<128x16xf32, #tpu.memory_space<vmem>>
      %dma_wait3A_569 = arith.constant 0 : i32
      %dma_wait3A_570 = tpu.memref_slice %arg10[%dma_wait3A_565, %dma_wait3A_569] : memref<26x128xi32, #tpu.memory_space<vmem>> -> memref<1x128xi32, #tpu.memory_space<vmem>>
      %dma_wait3A_571 = tpu.memref_squeeze %dma_wait3A_570 : memref<1x128xi32, #tpu.memory_space<vmem>> -> memref<128xi32, #tpu.memory_space<vmem>>
      %dma_wait3A_572 = arith.constant 0 : i32
      %dma_wait3A_573 = arith.constant 0 : i32
      %dma_wait3A_574 = tpu.memref_slice %arg2[%dma_wait3A_572, %dma_wait3A_573] : memref<2600026x16xf32, #tpu.memory_space<hbm>> -> memref<2600026x16xf32, #tpu.memory_space<hbm>>
      tpu.wait_indirect_dma semaphore(%arg17 : memref<!tpu.dma_semaphore, #tpu.memory_space<semaphore_mem>>) src(%dma_wait3A_574 : memref<2600026x16xf32, #tpu.memory_space<hbm>>) dst(%dma_wait3A_568 : memref<128x16xf32, #tpu.memory_space<vmem>>)
      %dma_wait3A_575 = arith.constant 16 : i32
      %dma_wait3A_576 = arith.constant 2048 : i32
      %dma_wait3A_577 = arith.constant 0 : i32
      %dma_wait3A_578 = tpu.memref_slice %arg14[%dma_wait3A_576, %dma_wait3A_577] : memref<3328x16xf32, #tpu.memory_space<vmem>> -> memref<128x16xf32, #tpu.memory_space<vmem>>
      %dma_wait3A_579 = arith.constant 0 : i32
      %dma_wait3A_580 = tpu.memref_slice %arg10[%dma_wait3A_575, %dma_wait3A_579] : memref<26x128xi32, #tpu.memory_space<vmem>> -> memref<1x128xi32, #tpu.memory_space<vmem>>
      %dma_wait3A_581 = tpu.memref_squeeze %dma_wait3A_580 : memref<1x128xi32, #tpu.memory_space<vmem>> -> memref<128xi32, #tpu.memory_space<vmem>>
      %dma_wait3A_582 = arith.constant 0 : i32
      %dma_wait3A_583 = arith.constant 0 : i32
      %dma_wait3A_584 = tpu.memref_slice %arg2[%dma_wait3A_582, %dma_wait3A_583] : memref<2600026x16xf32, #tpu.memory_space<hbm>> -> memref<2600026x16xf32, #tpu.memory_space<hbm>>
      tpu.wait_indirect_dma semaphore(%arg17 : memref<!tpu.dma_semaphore, #tpu.memory_space<semaphore_mem>>) src(%dma_wait3A_584 : memref<2600026x16xf32, #tpu.memory_space<hbm>>) dst(%dma_wait3A_578 : memref<128x16xf32, #tpu.memory_space<vmem>>)
      %dma_wait3A_585 = arith.constant 17 : i32
      %dma_wait3A_586 = arith.constant 2176 : i32
      %dma_wait3A_587 = arith.constant 0 : i32
      %dma_wait3A_588 = tpu.memref_slice %arg14[%dma_wait3A_586, %dma_wait3A_587] : memref<3328x16xf32, #tpu.memory_space<vmem>> -> memref<128x16xf32, #tpu.memory_space<vmem>>
      %dma_wait3A_589 = arith.constant 0 : i32
      %dma_wait3A_590 = tpu.memref_slice %arg10[%dma_wait3A_585, %dma_wait3A_589] : memref<26x128xi32, #tpu.memory_space<vmem>> -> memref<1x128xi32, #tpu.memory_space<vmem>>
      %dma_wait3A_591 = tpu.memref_squeeze %dma_wait3A_590 : memref<1x128xi32, #tpu.memory_space<vmem>> -> memref<128xi32, #tpu.memory_space<vmem>>
      %dma_wait3A_592 = arith.constant 0 : i32
      %dma_wait3A_593 = arith.constant 0 : i32
      %dma_wait3A_594 = tpu.memref_slice %arg2[%dma_wait3A_592, %dma_wait3A_593] : memref<2600026x16xf32, #tpu.memory_space<hbm>> -> memref<2600026x16xf32, #tpu.memory_space<hbm>>
      tpu.wait_indirect_dma semaphore(%arg17 : memref<!tpu.dma_semaphore, #tpu.memory_space<semaphore_mem>>) src(%dma_wait3A_594 : memref<2600026x16xf32, #tpu.memory_space<hbm>>) dst(%dma_wait3A_588 : memref<128x16xf32, #tpu.memory_space<vmem>>)
      %dma_wait3A_595 = arith.constant 18 : i32
      %dma_wait3A_596 = arith.constant 2304 : i32
      %dma_wait3A_597 = arith.constant 0 : i32
      %dma_wait3A_598 = tpu.memref_slice %arg14[%dma_wait3A_596, %dma_wait3A_597] : memref<3328x16xf32, #tpu.memory_space<vmem>> -> memref<128x16xf32, #tpu.memory_space<vmem>>
      %dma_wait3A_599 = arith.constant 0 : i32
      %dma_wait3A_600 = tpu.memref_slice %arg10[%dma_wait3A_595, %dma_wait3A_599] : memref<26x128xi32, #tpu.memory_space<vmem>> -> memref<1x128xi32, #tpu.memory_space<vmem>>
      %dma_wait3A_601 = tpu.memref_squeeze %dma_wait3A_600 : memref<1x128xi32, #tpu.memory_space<vmem>> -> memref<128xi32, #tpu.memory_space<vmem>>
      %dma_wait3A_602 = arith.constant 0 : i32
      %dma_wait3A_603 = arith.constant 0 : i32
      %dma_wait3A_604 = tpu.memref_slice %arg2[%dma_wait3A_602, %dma_wait3A_603] : memref<2600026x16xf32, #tpu.memory_space<hbm>> -> memref<2600026x16xf32, #tpu.memory_space<hbm>>
      tpu.wait_indirect_dma semaphore(%arg17 : memref<!tpu.dma_semaphore, #tpu.memory_space<semaphore_mem>>) src(%dma_wait3A_604 : memref<2600026x16xf32, #tpu.memory_space<hbm>>) dst(%dma_wait3A_598 : memref<128x16xf32, #tpu.memory_space<vmem>>)
      %dma_wait3A_605 = arith.constant 19 : i32
      %dma_wait3A_606 = arith.constant 2432 : i32
      %dma_wait3A_607 = arith.constant 0 : i32
      %dma_wait3A_608 = tpu.memref_slice %arg14[%dma_wait3A_606, %dma_wait3A_607] : memref<3328x16xf32, #tpu.memory_space<vmem>> -> memref<128x16xf32, #tpu.memory_space<vmem>>
      %dma_wait3A_609 = arith.constant 0 : i32
      %dma_wait3A_610 = tpu.memref_slice %arg10[%dma_wait3A_605, %dma_wait3A_609] : memref<26x128xi32, #tpu.memory_space<vmem>> -> memref<1x128xi32, #tpu.memory_space<vmem>>
      %dma_wait3A_611 = tpu.memref_squeeze %dma_wait3A_610 : memref<1x128xi32, #tpu.memory_space<vmem>> -> memref<128xi32, #tpu.memory_space<vmem>>
      %dma_wait3A_612 = arith.constant 0 : i32
      %dma_wait3A_613 = arith.constant 0 : i32
      %dma_wait3A_614 = tpu.memref_slice %arg2[%dma_wait3A_612, %dma_wait3A_613] : memref<2600026x16xf32, #tpu.memory_space<hbm>> -> memref<2600026x16xf32, #tpu.memory_space<hbm>>
      tpu.wait_indirect_dma semaphore(%arg17 : memref<!tpu.dma_semaphore, #tpu.memory_space<semaphore_mem>>) src(%dma_wait3A_614 : memref<2600026x16xf32, #tpu.memory_space<hbm>>) dst(%dma_wait3A_608 : memref<128x16xf32, #tpu.memory_space<vmem>>)
      %dma_wait3A_615 = arith.constant 20 : i32
      %dma_wait3A_616 = arith.constant 2560 : i32
      %dma_wait3A_617 = arith.constant 0 : i32
      %dma_wait3A_618 = tpu.memref_slice %arg14[%dma_wait3A_616, %dma_wait3A_617] : memref<3328x16xf32, #tpu.memory_space<vmem>> -> memref<128x16xf32, #tpu.memory_space<vmem>>
      %dma_wait3A_619 = arith.constant 0 : i32
      %dma_wait3A_620 = tpu.memref_slice %arg10[%dma_wait3A_615, %dma_wait3A_619] : memref<26x128xi32, #tpu.memory_space<vmem>> -> memref<1x128xi32, #tpu.memory_space<vmem>>
      %dma_wait3A_621 = tpu.memref_squeeze %dma_wait3A_620 : memref<1x128xi32, #tpu.memory_space<vmem>> -> memref<128xi32, #tpu.memory_space<vmem>>
      %dma_wait3A_622 = arith.constant 0 : i32
      %dma_wait3A_623 = arith.constant 0 : i32
      %dma_wait3A_624 = tpu.memref_slice %arg2[%dma_wait3A_622, %dma_wait3A_623] : memref<2600026x16xf32, #tpu.memory_space<hbm>> -> memref<2600026x16xf32, #tpu.memory_space<hbm>>
      tpu.wait_indirect_dma semaphore(%arg17 : memref<!tpu.dma_semaphore, #tpu.memory_space<semaphore_mem>>) src(%dma_wait3A_624 : memref<2600026x16xf32, #tpu.memory_space<hbm>>) dst(%dma_wait3A_618 : memref<128x16xf32, #tpu.memory_space<vmem>>)
      %dma_wait3A_625 = arith.constant 21 : i32
      %dma_wait3A_626 = arith.constant 2688 : i32
      %dma_wait3A_627 = arith.constant 0 : i32
      %dma_wait3A_628 = tpu.memref_slice %arg14[%dma_wait3A_626, %dma_wait3A_627] : memref<3328x16xf32, #tpu.memory_space<vmem>> -> memref<128x16xf32, #tpu.memory_space<vmem>>
      %dma_wait3A_629 = arith.constant 0 : i32
      %dma_wait3A_630 = tpu.memref_slice %arg10[%dma_wait3A_625, %dma_wait3A_629] : memref<26x128xi32, #tpu.memory_space<vmem>> -> memref<1x128xi32, #tpu.memory_space<vmem>>
      %dma_wait3A_631 = tpu.memref_squeeze %dma_wait3A_630 : memref<1x128xi32, #tpu.memory_space<vmem>> -> memref<128xi32, #tpu.memory_space<vmem>>
      %dma_wait3A_632 = arith.constant 0 : i32
      %dma_wait3A_633 = arith.constant 0 : i32
      %dma_wait3A_634 = tpu.memref_slice %arg2[%dma_wait3A_632, %dma_wait3A_633] : memref<2600026x16xf32, #tpu.memory_space<hbm>> -> memref<2600026x16xf32, #tpu.memory_space<hbm>>
      tpu.wait_indirect_dma semaphore(%arg17 : memref<!tpu.dma_semaphore, #tpu.memory_space<semaphore_mem>>) src(%dma_wait3A_634 : memref<2600026x16xf32, #tpu.memory_space<hbm>>) dst(%dma_wait3A_628 : memref<128x16xf32, #tpu.memory_space<vmem>>)
      %dma_wait3A_635 = arith.constant 22 : i32
      %dma_wait3A_636 = arith.constant 2816 : i32
      %dma_wait3A_637 = arith.constant 0 : i32
      %dma_wait3A_638 = tpu.memref_slice %arg14[%dma_wait3A_636, %dma_wait3A_637] : memref<3328x16xf32, #tpu.memory_space<vmem>> -> memref<128x16xf32, #tpu.memory_space<vmem>>
      %dma_wait3A_639 = arith.constant 0 : i32
      %dma_wait3A_640 = tpu.memref_slice %arg10[%dma_wait3A_635, %dma_wait3A_639] : memref<26x128xi32, #tpu.memory_space<vmem>> -> memref<1x128xi32, #tpu.memory_space<vmem>>
      %dma_wait3A_641 = tpu.memref_squeeze %dma_wait3A_640 : memref<1x128xi32, #tpu.memory_space<vmem>> -> memref<128xi32, #tpu.memory_space<vmem>>
      %dma_wait3A_642 = arith.constant 0 : i32
      %dma_wait3A_643 = arith.constant 0 : i32
      %dma_wait3A_644 = tpu.memref_slice %arg2[%dma_wait3A_642, %dma_wait3A_643] : memref<2600026x16xf32, #tpu.memory_space<hbm>> -> memref<2600026x16xf32, #tpu.memory_space<hbm>>
      tpu.wait_indirect_dma semaphore(%arg17 : memref<!tpu.dma_semaphore, #tpu.memory_space<semaphore_mem>>) src(%dma_wait3A_644 : memref<2600026x16xf32, #tpu.memory_space<hbm>>) dst(%dma_wait3A_638 : memref<128x16xf32, #tpu.memory_space<vmem>>)
      %dma_wait3A_645 = arith.constant 23 : i32
      %dma_wait3A_646 = arith.constant 2944 : i32
      %dma_wait3A_647 = arith.constant 0 : i32
      %dma_wait3A_648 = tpu.memref_slice %arg14[%dma_wait3A_646, %dma_wait3A_647] : memref<3328x16xf32, #tpu.memory_space<vmem>> -> memref<128x16xf32, #tpu.memory_space<vmem>>
      %dma_wait3A_649 = arith.constant 0 : i32
      %dma_wait3A_650 = tpu.memref_slice %arg10[%dma_wait3A_645, %dma_wait3A_649] : memref<26x128xi32, #tpu.memory_space<vmem>> -> memref<1x128xi32, #tpu.memory_space<vmem>>
      %dma_wait3A_651 = tpu.memref_squeeze %dma_wait3A_650 : memref<1x128xi32, #tpu.memory_space<vmem>> -> memref<128xi32, #tpu.memory_space<vmem>>
      %dma_wait3A_652 = arith.constant 0 : i32
      %dma_wait3A_653 = arith.constant 0 : i32
      %dma_wait3A_654 = tpu.memref_slice %arg2[%dma_wait3A_652, %dma_wait3A_653] : memref<2600026x16xf32, #tpu.memory_space<hbm>> -> memref<2600026x16xf32, #tpu.memory_space<hbm>>
      tpu.wait_indirect_dma semaphore(%arg17 : memref<!tpu.dma_semaphore, #tpu.memory_space<semaphore_mem>>) src(%dma_wait3A_654 : memref<2600026x16xf32, #tpu.memory_space<hbm>>) dst(%dma_wait3A_648 : memref<128x16xf32, #tpu.memory_space<vmem>>)
      %dma_wait3A_655 = arith.constant 24 : i32
      %dma_wait3A_656 = arith.constant 3072 : i32
      %dma_wait3A_657 = arith.constant 0 : i32
      %dma_wait3A_658 = tpu.memref_slice %arg14[%dma_wait3A_656, %dma_wait3A_657] : memref<3328x16xf32, #tpu.memory_space<vmem>> -> memref<128x16xf32, #tpu.memory_space<vmem>>
      %dma_wait3A_659 = arith.constant 0 : i32
      %dma_wait3A_660 = tpu.memref_slice %arg10[%dma_wait3A_655, %dma_wait3A_659] : memref<26x128xi32, #tpu.memory_space<vmem>> -> memref<1x128xi32, #tpu.memory_space<vmem>>
      %dma_wait3A_661 = tpu.memref_squeeze %dma_wait3A_660 : memref<1x128xi32, #tpu.memory_space<vmem>> -> memref<128xi32, #tpu.memory_space<vmem>>
      %dma_wait3A_662 = arith.constant 0 : i32
      %dma_wait3A_663 = arith.constant 0 : i32
      %dma_wait3A_664 = tpu.memref_slice %arg2[%dma_wait3A_662, %dma_wait3A_663] : memref<2600026x16xf32, #tpu.memory_space<hbm>> -> memref<2600026x16xf32, #tpu.memory_space<hbm>>
      tpu.wait_indirect_dma semaphore(%arg17 : memref<!tpu.dma_semaphore, #tpu.memory_space<semaphore_mem>>) src(%dma_wait3A_664 : memref<2600026x16xf32, #tpu.memory_space<hbm>>) dst(%dma_wait3A_658 : memref<128x16xf32, #tpu.memory_space<vmem>>)
      %dma_wait3A_665 = arith.constant 25 : i32
      %dma_wait3A_666 = arith.constant 3200 : i32
      %dma_wait3A_667 = arith.constant 0 : i32
      %dma_wait3A_668 = tpu.memref_slice %arg14[%dma_wait3A_666, %dma_wait3A_667] : memref<3328x16xf32, #tpu.memory_space<vmem>> -> memref<128x16xf32, #tpu.memory_space<vmem>>
      %dma_wait3A_669 = arith.constant 0 : i32
      %dma_wait3A_670 = tpu.memref_slice %arg10[%dma_wait3A_665, %dma_wait3A_669] : memref<26x128xi32, #tpu.memory_space<vmem>> -> memref<1x128xi32, #tpu.memory_space<vmem>>
      %dma_wait3A_671 = tpu.memref_squeeze %dma_wait3A_670 : memref<1x128xi32, #tpu.memory_space<vmem>> -> memref<128xi32, #tpu.memory_space<vmem>>
      %dma_wait3A_672 = arith.constant 0 : i32
      %dma_wait3A_673 = arith.constant 0 : i32
      %dma_wait3A_674 = tpu.memref_slice %arg2[%dma_wait3A_672, %dma_wait3A_673] : memref<2600026x16xf32, #tpu.memory_space<hbm>> -> memref<2600026x16xf32, #tpu.memory_space<hbm>>
      tpu.wait_indirect_dma semaphore(%arg17 : memref<!tpu.dma_semaphore, #tpu.memory_space<semaphore_mem>>) src(%dma_wait3A_674 : memref<2600026x16xf32, #tpu.memory_space<hbm>>) dst(%dma_wait3A_668 : memref<128x16xf32, #tpu.memory_space<vmem>>)
      %scan3A_675 = arith.constant 0 : i32
      %scan3A_676 = arith.constant 0 : i32
      %scan3A_677 = arith.constant 128 : i32
      %scan3A_678 = arith.addi %scan3A_676, %scan3A_677 : i32
      %scan3A_679 = arith.constant 1 : i32
      %scan3A_680 = scf.for %scan3A_685 = %scan3A_676 to %scan3A_678 step %scan3A_679 iter_args(%scan3A_686 = %scan3A_675) -> (i32)  : i32 {
        %mul3A_687 = arith.constant 26 : i32
        %mul3A_688 = arith.muli %scan3A_685, %mul3A_687 : i32
        %mul3A_689 = arith.constant 28 : i32
        %mul3A_690 = arith.muli %scan3A_685, %mul3A_689 : i32
        %swap3A = arith.index_cast %mul3A_690 : i32 to index
        %swap3A_691 = arith.constant 0 : index
        %swap3A_692 = tpu.vector_load %arg16[%swap3A, %swap3A_691] {strides = array<i32>} : memref<3584x16xf32, #tpu.memory_space<vmem>>, vector<1x16xf32>,
        %swap3A_693 = vector.shape_cast %swap3A_692 : vector<1x16xf32> to vector<16xf32>
        %swap3A_694 = vector.shape_cast %get3A_136 : vector<16xf32> to vector<1x16xf32>
        tpu.vector_store %arg16[%swap3A, %swap3A_691], %swap3A_694 {strides = array<i32>} : memref<3584x16xf32, #tpu.memory_space<vmem>>, vector<1x16xf32>,
        %add3A_695 = arith.constant 0 : i32
        %add3A_696 = arith.addi %mul3A_688, %add3A_695 : i32
        %get3A_697 = arith.index_cast %add3A_696 : i32 to index
        %get3A_698 = arith.constant 0 : index
        %get3A_699 = tpu.vector_load %arg14[%get3A_697, %get3A_698] {strides = array<i32>} : memref<3328x16xf32, #tpu.memory_space<vmem>>, vector<1x16xf32>,
        %get3A_700 = vector.shape_cast %get3A_699 : vector<1x16xf32> to vector<16xf32>
        %add3A_701 = arith.addf %get3A_700, %get3A_6 : vector<16xf32>
        %add3A_702 = arith.constant 1 : i32
        %add3A_703 = arith.addi %mul3A_690, %add3A_702 : i32
        %add3A_704 = arith.constant 0 : i32
        %add3A_705 = arith.addi %add3A_703, %add3A_704 : i32
        %swap3A_706 = arith.index_cast %add3A_705 : i32 to index
        %swap3A_707 = arith.constant 0 : index
        %swap3A_708 = tpu.vector_load %arg16[%swap3A_706, %swap3A_707] {strides = array<i32>} : memref<3584x16xf32, #tpu.memory_space<vmem>>, vector<1x16xf32>,
        %swap3A_709 = vector.shape_cast %swap3A_708 : vector<1x16xf32> to vector<16xf32>
        %swap3A_710 = vector.shape_cast %add3A_701 : vector<16xf32> to vector<1x16xf32>
        tpu.vector_store %arg16[%swap3A_706, %swap3A_707], %swap3A_710 {strides = array<i32>} : memref<3584x16xf32, #tpu.memory_space<vmem>>, vector<1x16xf32>,
        %add3A_711 = arith.constant 1 : i32
        %add3A_712 = arith.addi %mul3A_688, %add3A_711 : i32
        %get3A_713 = arith.index_cast %add3A_712 : i32 to index
        %get3A_714 = arith.constant 0 : index
        %get3A_715 = tpu.vector_load %arg14[%get3A_713, %get3A_714] {strides = array<i32>} : memref<3328x16xf32, #tpu.memory_space<vmem>>, vector<1x16xf32>,
        %get3A_716 = vector.shape_cast %get3A_715 : vector<1x16xf32> to vector<16xf32>
        %add3A_717 = arith.addf %get3A_716, %get3A_11 : vector<16xf32>
        %add3A_718 = arith.constant 1 : i32
        %add3A_719 = arith.addi %mul3A_690, %add3A_718 : i32
        %add3A_720 = arith.constant 1 : i32
        %add3A_721 = arith.addi %add3A_719, %add3A_720 : i32
        %swap3A_722 = arith.index_cast %add3A_721 : i32 to index
        %swap3A_723 = arith.constant 0 : index
        %swap3A_724 = tpu.vector_load %arg16[%swap3A_722, %swap3A_723] {strides = array<i32>} : memref<3584x16xf32, #tpu.memory_space<vmem>>, vector<1x16xf32>,
        %swap3A_725 = vector.shape_cast %swap3A_724 : vector<1x16xf32> to vector<16xf32>
        %swap3A_726 = vector.shape_cast %add3A_717 : vector<16xf32> to vector<1x16xf32>
        tpu.vector_store %arg16[%swap3A_722, %swap3A_723], %swap3A_726 {strides = array<i32>} : memref<3584x16xf32, #tpu.memory_space<vmem>>, vector<1x16xf32>,
        %add3A_727 = arith.constant 2 : i32
        %add3A_728 = arith.addi %mul3A_688, %add3A_727 : i32
        %get3A_729 = arith.index_cast %add3A_728 : i32 to index
        %get3A_730 = arith.constant 0 : index
        %get3A_731 = tpu.vector_load %arg14[%get3A_729, %get3A_730] {strides = array<i32>} : memref<3328x16xf32, #tpu.memory_space<vmem>>, vector<1x16xf32>,
        %get3A_732 = vector.shape_cast %get3A_731 : vector<1x16xf32> to vector<16xf32>
        %add3A_733 = arith.addf %get3A_732, %get3A_16 : vector<16xf32>
        %add3A_734 = arith.constant 1 : i32
        %add3A_735 = arith.addi %mul3A_690, %add3A_734 : i32
        %add3A_736 = arith.constant 2 : i32
        %add3A_737 = arith.addi %add3A_735, %add3A_736 : i32
        %swap3A_738 = arith.index_cast %add3A_737 : i32 to index
        %swap3A_739 = arith.constant 0 : index
        %swap3A_740 = tpu.vector_load %arg16[%swap3A_738, %swap3A_739] {strides = array<i32>} : memref<3584x16xf32, #tpu.memory_space<vmem>>, vector<1x16xf32>,
        %swap3A_741 = vector.shape_cast %swap3A_740 : vector<1x16xf32> to vector<16xf32>
        %swap3A_742 = vector.shape_cast %add3A_733 : vector<16xf32> to vector<1x16xf32>
        tpu.vector_store %arg16[%swap3A_738, %swap3A_739], %swap3A_742 {strides = array<i32>} : memref<3584x16xf32, #tpu.memory_space<vmem>>, vector<1x16xf32>,
        %add3A_743 = arith.constant 3 : i32
        %add3A_744 = arith.addi %mul3A_688, %add3A_743 : i32
        %get3A_745 = arith.index_cast %add3A_744 : i32 to index
        %get3A_746 = arith.constant 0 : index
        %get3A_747 = tpu.vector_load %arg14[%get3A_745, %get3A_746] {strides = array<i32>} : memref<3328x16xf32, #tpu.memory_space<vmem>>, vector<1x16xf32>,
        %get3A_748 = vector.shape_cast %get3A_747 : vector<1x16xf32> to vector<16xf32>
        %add3A_749 = arith.addf %get3A_748, %get3A_21 : vector<16xf32>
        %add3A_750 = arith.constant 1 : i32
        %add3A_751 = arith.addi %mul3A_690, %add3A_750 : i32
        %add3A_752 = arith.constant 3 : i32
        %add3A_753 = arith.addi %add3A_751, %add3A_752 : i32
        %swap3A_754 = arith.index_cast %add3A_753 : i32 to index
        %swap3A_755 = arith.constant 0 : index
        %swap3A_756 = tpu.vector_load %arg16[%swap3A_754, %swap3A_755] {strides = array<i32>} : memref<3584x16xf32, #tpu.memory_space<vmem>>, vector<1x16xf32>,
        %swap3A_757 = vector.shape_cast %swap3A_756 : vector<1x16xf32> to vector<16xf32>
        %swap3A_758 = vector.shape_cast %add3A_749 : vector<16xf32> to vector<1x16xf32>
        tpu.vector_store %arg16[%swap3A_754, %swap3A_755], %swap3A_758 {strides = array<i32>} : memref<3584x16xf32, #tpu.memory_space<vmem>>, vector<1x16xf32>,
        %add3A_759 = arith.constant 4 : i32
        %add3A_760 = arith.addi %mul3A_688, %add3A_759 : i32
        %get3A_761 = arith.index_cast %add3A_760 : i32 to index
        %get3A_762 = arith.constant 0 : index
        %get3A_763 = tpu.vector_load %arg14[%get3A_761, %get3A_762] {strides = array<i32>} : memref<3328x16xf32, #tpu.memory_space<vmem>>, vector<1x16xf32>,
        %get3A_764 = vector.shape_cast %get3A_763 : vector<1x16xf32> to vector<16xf32>
        %add3A_765 = arith.addf %get3A_764, %get3A_26 : vector<16xf32>
        %add3A_766 = arith.constant 1 : i32
        %add3A_767 = arith.addi %mul3A_690, %add3A_766 : i32
        %add3A_768 = arith.constant 4 : i32
        %add3A_769 = arith.addi %add3A_767, %add3A_768 : i32
        %swap3A_770 = arith.index_cast %add3A_769 : i32 to index
        %swap3A_771 = arith.constant 0 : index
        %swap3A_772 = tpu.vector_load %arg16[%swap3A_770, %swap3A_771] {strides = array<i32>} : memref<3584x16xf32, #tpu.memory_space<vmem>>, vector<1x16xf32>,
        %swap3A_773 = vector.shape_cast %swap3A_772 : vector<1x16xf32> to vector<16xf32>
        %swap3A_774 = vector.shape_cast %add3A_765 : vector<16xf32> to vector<1x16xf32>
        tpu.vector_store %arg16[%swap3A_770, %swap3A_771], %swap3A_774 {strides = array<i32>} : memref<3584x16xf32, #tpu.memory_space<vmem>>, vector<1x16xf32>,
        %add3A_775 = arith.constant 5 : i32
        %add3A_776 = arith.addi %mul3A_688, %add3A_775 : i32
        %get3A_777 = arith.index_cast %add3A_776 : i32 to index
        %get3A_778 = arith.constant 0 : index
        %get3A_779 = tpu.vector_load %arg14[%get3A_777, %get3A_778] {strides = array<i32>} : memref<3328x16xf32, #tpu.memory_space<vmem>>, vector<1x16xf32>,
        %get3A_780 = vector.shape_cast %get3A_779 : vector<1x16xf32> to vector<16xf32>
        %add3A_781 = arith.addf %get3A_780, %get3A_31 : vector<16xf32>
        %add3A_782 = arith.constant 1 : i32
        %add3A_783 = arith.addi %mul3A_690, %add3A_782 : i32
        %add3A_784 = arith.constant 5 : i32
        %add3A_785 = arith.addi %add3A_783, %add3A_784 : i32
        %swap3A_786 = arith.index_cast %add3A_785 : i32 to index
        %swap3A_787 = arith.constant 0 : index
        %swap3A_788 = tpu.vector_load %arg16[%swap3A_786, %swap3A_787] {strides = array<i32>} : memref<3584x16xf32, #tpu.memory_space<vmem>>, vector<1x16xf32>,
        %swap3A_789 = vector.shape_cast %swap3A_788 : vector<1x16xf32> to vector<16xf32>
        %swap3A_790 = vector.shape_cast %add3A_781 : vector<16xf32> to vector<1x16xf32>
        tpu.vector_store %arg16[%swap3A_786, %swap3A_787], %swap3A_790 {strides = array<i32>} : memref<3584x16xf32, #tpu.memory_space<vmem>>, vector<1x16xf32>,
        %add3A_791 = arith.constant 6 : i32
        %add3A_792 = arith.addi %mul3A_688, %add3A_791 : i32
        %get3A_793 = arith.index_cast %add3A_792 : i32 to index
        %get3A_794 = arith.constant 0 : index
        %get3A_795 = tpu.vector_load %arg14[%get3A_793, %get3A_794] {strides = array<i32>} : memref<3328x16xf32, #tpu.memory_space<vmem>>, vector<1x16xf32>,
        %get3A_796 = vector.shape_cast %get3A_795 : vector<1x16xf32> to vector<16xf32>
        %add3A_797 = arith.addf %get3A_796, %get3A_36 : vector<16xf32>
        %add3A_798 = arith.constant 1 : i32
        %add3A_799 = arith.addi %mul3A_690, %add3A_798 : i32
        %add3A_800 = arith.constant 6 : i32
        %add3A_801 = arith.addi %add3A_799, %add3A_800 : i32
        %swap3A_802 = arith.index_cast %add3A_801 : i32 to index
        %swap3A_803 = arith.constant 0 : index
        %swap3A_804 = tpu.vector_load %arg16[%swap3A_802, %swap3A_803] {strides = array<i32>} : memref<3584x16xf32, #tpu.memory_space<vmem>>, vector<1x16xf32>,
        %swap3A_805 = vector.shape_cast %swap3A_804 : vector<1x16xf32> to vector<16xf32>
        %swap3A_806 = vector.shape_cast %add3A_797 : vector<16xf32> to vector<1x16xf32>
        tpu.vector_store %arg16[%swap3A_802, %swap3A_803], %swap3A_806 {strides = array<i32>} : memref<3584x16xf32, #tpu.memory_space<vmem>>, vector<1x16xf32>,
        %add3A_807 = arith.constant 7 : i32
        %add3A_808 = arith.addi %mul3A_688, %add3A_807 : i32
        %get3A_809 = arith.index_cast %add3A_808 : i32 to index
        %get3A_810 = arith.constant 0 : index
        %get3A_811 = tpu.vector_load %arg14[%get3A_809, %get3A_810] {strides = array<i32>} : memref<3328x16xf32, #tpu.memory_space<vmem>>, vector<1x16xf32>,
        %get3A_812 = vector.shape_cast %get3A_811 : vector<1x16xf32> to vector<16xf32>
        %add3A_813 = arith.addf %get3A_812, %get3A_41 : vector<16xf32>
        %add3A_814 = arith.constant 1 : i32
        %add3A_815 = arith.addi %mul3A_690, %add3A_814 : i32
        %add3A_816 = arith.constant 7 : i32
        %add3A_817 = arith.addi %add3A_815, %add3A_816 : i32
        %swap3A_818 = arith.index_cast %add3A_817 : i32 to index
        %swap3A_819 = arith.constant 0 : index
        %swap3A_820 = tpu.vector_load %arg16[%swap3A_818, %swap3A_819] {strides = array<i32>} : memref<3584x16xf32, #tpu.memory_space<vmem>>, vector<1x16xf32>,
        %swap3A_821 = vector.shape_cast %swap3A_820 : vector<1x16xf32> to vector<16xf32>
        %swap3A_822 = vector.shape_cast %add3A_813 : vector<16xf32> to vector<1x16xf32>
        tpu.vector_store %arg16[%swap3A_818, %swap3A_819], %swap3A_822 {strides = array<i32>} : memref<3584x16xf32, #tpu.memory_space<vmem>>, vector<1x16xf32>,
        %add3A_823 = arith.constant 8 : i32
        %add3A_824 = arith.addi %mul3A_688, %add3A_823 : i32
        %get3A_825 = arith.index_cast %add3A_824 : i32 to index
        %get3A_826 = arith.constant 0 : index
        %get3A_827 = tpu.vector_load %arg14[%get3A_825, %get3A_826] {strides = array<i32>} : memref<3328x16xf32, #tpu.memory_space<vmem>>, vector<1x16xf32>,
        %get3A_828 = vector.shape_cast %get3A_827 : vector<1x16xf32> to vector<16xf32>
        %add3A_829 = arith.addf %get3A_828, %get3A_46 : vector<16xf32>
        %add3A_830 = arith.constant 1 : i32
        %add3A_831 = arith.addi %mul3A_690, %add3A_830 : i32
        %add3A_832 = arith.constant 8 : i32
        %add3A_833 = arith.addi %add3A_831, %add3A_832 : i32
        %swap3A_834 = arith.index_cast %add3A_833 : i32 to index
        %swap3A_835 = arith.constant 0 : index
        %swap3A_836 = tpu.vector_load %arg16[%swap3A_834, %swap3A_835] {strides = array<i32>} : memref<3584x16xf32, #tpu.memory_space<vmem>>, vector<1x16xf32>,
        %swap3A_837 = vector.shape_cast %swap3A_836 : vector<1x16xf32> to vector<16xf32>
        %swap3A_838 = vector.shape_cast %add3A_829 : vector<16xf32> to vector<1x16xf32>
        tpu.vector_store %arg16[%swap3A_834, %swap3A_835], %swap3A_838 {strides = array<i32>} : memref<3584x16xf32, #tpu.memory_space<vmem>>, vector<1x16xf32>,
        %add3A_839 = arith.constant 9 : i32
        %add3A_840 = arith.addi %mul3A_688, %add3A_839 : i32
        %get3A_841 = arith.index_cast %add3A_840 : i32 to index
        %get3A_842 = arith.constant 0 : index
        %get3A_843 = tpu.vector_load %arg14[%get3A_841, %get3A_842] {strides = array<i32>} : memref<3328x16xf32, #tpu.memory_space<vmem>>, vector<1x16xf32>,
        %get3A_844 = vector.shape_cast %get3A_843 : vector<1x16xf32> to vector<16xf32>
        %add3A_845 = arith.addf %get3A_844, %get3A_51 : vector<16xf32>
        %add3A_846 = arith.constant 1 : i32
        %add3A_847 = arith.addi %mul3A_690, %add3A_846 : i32
        %add3A_848 = arith.constant 9 : i32
        %add3A_849 = arith.addi %add3A_847, %add3A_848 : i32
        %swap3A_850 = arith.index_cast %add3A_849 : i32 to index
        %swap3A_851 = arith.constant 0 : index
        %swap3A_852 = tpu.vector_load %arg16[%swap3A_850, %swap3A_851] {strides = array<i32>} : memref<3584x16xf32, #tpu.memory_space<vmem>>, vector<1x16xf32>,
        %swap3A_853 = vector.shape_cast %swap3A_852 : vector<1x16xf32> to vector<16xf32>
        %swap3A_854 = vector.shape_cast %add3A_845 : vector<16xf32> to vector<1x16xf32>
        tpu.vector_store %arg16[%swap3A_850, %swap3A_851], %swap3A_854 {strides = array<i32>} : memref<3584x16xf32, #tpu.memory_space<vmem>>, vector<1x16xf32>,
        %add3A_855 = arith.constant 10 : i32
        %add3A_856 = arith.addi %mul3A_688, %add3A_855 : i32
        %get3A_857 = arith.index_cast %add3A_856 : i32 to index
        %get3A_858 = arith.constant 0 : index
        %get3A_859 = tpu.vector_load %arg14[%get3A_857, %get3A_858] {strides = array<i32>} : memref<3328x16xf32, #tpu.memory_space<vmem>>, vector<1x16xf32>,
        %get3A_860 = vector.shape_cast %get3A_859 : vector<1x16xf32> to vector<16xf32>
        %add3A_861 = arith.addf %get3A_860, %get3A_56 : vector<16xf32>
        %add3A_862 = arith.constant 1 : i32
        %add3A_863 = arith.addi %mul3A_690, %add3A_862 : i32
        %add3A_864 = arith.constant 10 : i32
        %add3A_865 = arith.addi %add3A_863, %add3A_864 : i32
        %swap3A_866 = arith.index_cast %add3A_865 : i32 to index
        %swap3A_867 = arith.constant 0 : index
        %swap3A_868 = tpu.vector_load %arg16[%swap3A_866, %swap3A_867] {strides = array<i32>} : memref<3584x16xf32, #tpu.memory_space<vmem>>, vector<1x16xf32>,
        %swap3A_869 = vector.shape_cast %swap3A_868 : vector<1x16xf32> to vector<16xf32>
        %swap3A_870 = vector.shape_cast %add3A_861 : vector<16xf32> to vector<1x16xf32>
        tpu.vector_store %arg16[%swap3A_866, %swap3A_867], %swap3A_870 {strides = array<i32>} : memref<3584x16xf32, #tpu.memory_space<vmem>>, vector<1x16xf32>,
        %add3A_871 = arith.constant 11 : i32
        %add3A_872 = arith.addi %mul3A_688, %add3A_871 : i32
        %get3A_873 = arith.index_cast %add3A_872 : i32 to index
        %get3A_874 = arith.constant 0 : index
        %get3A_875 = tpu.vector_load %arg14[%get3A_873, %get3A_874] {strides = array<i32>} : memref<3328x16xf32, #tpu.memory_space<vmem>>, vector<1x16xf32>,
        %get3A_876 = vector.shape_cast %get3A_875 : vector<1x16xf32> to vector<16xf32>
        %add3A_877 = arith.addf %get3A_876, %get3A_61 : vector<16xf32>
        %add3A_878 = arith.constant 1 : i32
        %add3A_879 = arith.addi %mul3A_690, %add3A_878 : i32
        %add3A_880 = arith.constant 11 : i32
        %add3A_881 = arith.addi %add3A_879, %add3A_880 : i32
        %swap3A_882 = arith.index_cast %add3A_881 : i32 to index
        %swap3A_883 = arith.constant 0 : index
        %swap3A_884 = tpu.vector_load %arg16[%swap3A_882, %swap3A_883] {strides = array<i32>} : memref<3584x16xf32, #tpu.memory_space<vmem>>, vector<1x16xf32>,
        %swap3A_885 = vector.shape_cast %swap3A_884 : vector<1x16xf32> to vector<16xf32>
        %swap3A_886 = vector.shape_cast %add3A_877 : vector<16xf32> to vector<1x16xf32>
        tpu.vector_store %arg16[%swap3A_882, %swap3A_883], %swap3A_886 {strides = array<i32>} : memref<3584x16xf32, #tpu.memory_space<vmem>>, vector<1x16xf32>,
        %add3A_887 = arith.constant 12 : i32
        %add3A_888 = arith.addi %mul3A_688, %add3A_887 : i32
        %get3A_889 = arith.index_cast %add3A_888 : i32 to index
        %get3A_890 = arith.constant 0 : index
        %get3A_891 = tpu.vector_load %arg14[%get3A_889, %get3A_890] {strides = array<i32>} : memref<3328x16xf32, #tpu.memory_space<vmem>>, vector<1x16xf32>,
        %get3A_892 = vector.shape_cast %get3A_891 : vector<1x16xf32> to vector<16xf32>
        %add3A_893 = arith.addf %get3A_892, %get3A_66 : vector<16xf32>
        %add3A_894 = arith.constant 1 : i32
        %add3A_895 = arith.addi %mul3A_690, %add3A_894 : i32
        %add3A_896 = arith.constant 12 : i32
        %add3A_897 = arith.addi %add3A_895, %add3A_896 : i32
        %swap3A_898 = arith.index_cast %add3A_897 : i32 to index
        %swap3A_899 = arith.constant 0 : index
        %swap3A_900 = tpu.vector_load %arg16[%swap3A_898, %swap3A_899] {strides = array<i32>} : memref<3584x16xf32, #tpu.memory_space<vmem>>, vector<1x16xf32>,
        %swap3A_901 = vector.shape_cast %swap3A_900 : vector<1x16xf32> to vector<16xf32>
        %swap3A_902 = vector.shape_cast %add3A_893 : vector<16xf32> to vector<1x16xf32>
        tpu.vector_store %arg16[%swap3A_898, %swap3A_899], %swap3A_902 {strides = array<i32>} : memref<3584x16xf32, #tpu.memory_space<vmem>>, vector<1x16xf32>,
        %add3A_903 = arith.constant 13 : i32
        %add3A_904 = arith.addi %mul3A_688, %add3A_903 : i32
        %get3A_905 = arith.index_cast %add3A_904 : i32 to index
        %get3A_906 = arith.constant 0 : index
        %get3A_907 = tpu.vector_load %arg14[%get3A_905, %get3A_906] {strides = array<i32>} : memref<3328x16xf32, #tpu.memory_space<vmem>>, vector<1x16xf32>,
        %get3A_908 = vector.shape_cast %get3A_907 : vector<1x16xf32> to vector<16xf32>
        %add3A_909 = arith.addf %get3A_908, %get3A_71 : vector<16xf32>
        %add3A_910 = arith.constant 1 : i32
        %add3A_911 = arith.addi %mul3A_690, %add3A_910 : i32
        %add3A_912 = arith.constant 13 : i32
        %add3A_913 = arith.addi %add3A_911, %add3A_912 : i32
        %swap3A_914 = arith.index_cast %add3A_913 : i32 to index
        %swap3A_915 = arith.constant 0 : index
        %swap3A_916 = tpu.vector_load %arg16[%swap3A_914, %swap3A_915] {strides = array<i32>} : memref<3584x16xf32, #tpu.memory_space<vmem>>, vector<1x16xf32>,
        %swap3A_917 = vector.shape_cast %swap3A_916 : vector<1x16xf32> to vector<16xf32>
        %swap3A_918 = vector.shape_cast %add3A_909 : vector<16xf32> to vector<1x16xf32>
        tpu.vector_store %arg16[%swap3A_914, %swap3A_915], %swap3A_918 {strides = array<i32>} : memref<3584x16xf32, #tpu.memory_space<vmem>>, vector<1x16xf32>,
        %add3A_919 = arith.constant 14 : i32
        %add3A_920 = arith.addi %mul3A_688, %add3A_919 : i32
        %get3A_921 = arith.index_cast %add3A_920 : i32 to index
        %get3A_922 = arith.constant 0 : index
        %get3A_923 = tpu.vector_load %arg14[%get3A_921, %get3A_922] {strides = array<i32>} : memref<3328x16xf32, #tpu.memory_space<vmem>>, vector<1x16xf32>,
        %get3A_924 = vector.shape_cast %get3A_923 : vector<1x16xf32> to vector<16xf32>
        %add3A_925 = arith.addf %get3A_924, %get3A_76 : vector<16xf32>
        %add3A_926 = arith.constant 1 : i32
        %add3A_927 = arith.addi %mul3A_690, %add3A_926 : i32
        %add3A_928 = arith.constant 14 : i32
        %add3A_929 = arith.addi %add3A_927, %add3A_928 : i32
        %swap3A_930 = arith.index_cast %add3A_929 : i32 to index
        %swap3A_931 = arith.constant 0 : index
        %swap3A_932 = tpu.vector_load %arg16[%swap3A_930, %swap3A_931] {strides = array<i32>} : memref<3584x16xf32, #tpu.memory_space<vmem>>, vector<1x16xf32>,
        %swap3A_933 = vector.shape_cast %swap3A_932 : vector<1x16xf32> to vector<16xf32>
        %swap3A_934 = vector.shape_cast %add3A_925 : vector<16xf32> to vector<1x16xf32>
        tpu.vector_store %arg16[%swap3A_930, %swap3A_931], %swap3A_934 {strides = array<i32>} : memref<3584x16xf32, #tpu.memory_space<vmem>>, vector<1x16xf32>,
        %add3A_935 = arith.constant 15 : i32
        %add3A_936 = arith.addi %mul3A_688, %add3A_935 : i32
        %get3A_937 = arith.index_cast %add3A_936 : i32 to index
        %get3A_938 = arith.constant 0 : index
        %get3A_939 = tpu.vector_load %arg14[%get3A_937, %get3A_938] {strides = array<i32>} : memref<3328x16xf32, #tpu.memory_space<vmem>>, vector<1x16xf32>,
        %get3A_940 = vector.shape_cast %get3A_939 : vector<1x16xf32> to vector<16xf32>
        %add3A_941 = arith.addf %get3A_940, %get3A_81 : vector<16xf32>
        %add3A_942 = arith.constant 1 : i32
        %add3A_943 = arith.addi %mul3A_690, %add3A_942 : i32
        %add3A_944 = arith.constant 15 : i32
        %add3A_945 = arith.addi %add3A_943, %add3A_944 : i32
        %swap3A_946 = arith.index_cast %add3A_945 : i32 to index
        %swap3A_947 = arith.constant 0 : index
        %swap3A_948 = tpu.vector_load %arg16[%swap3A_946, %swap3A_947] {strides = array<i32>} : memref<3584x16xf32, #tpu.memory_space<vmem>>, vector<1x16xf32>,
        %swap3A_949 = vector.shape_cast %swap3A_948 : vector<1x16xf32> to vector<16xf32>
        %swap3A_950 = vector.shape_cast %add3A_941 : vector<16xf32> to vector<1x16xf32>
        tpu.vector_store %arg16[%swap3A_946, %swap3A_947], %swap3A_950 {strides = array<i32>} : memref<3584x16xf32, #tpu.memory_space<vmem>>, vector<1x16xf32>,
        %add3A_951 = arith.constant 16 : i32
        %add3A_952 = arith.addi %mul3A_688, %add3A_951 : i32
        %get3A_953 = arith.index_cast %add3A_952 : i32 to index
        %get3A_954 = arith.constant 0 : index
        %get3A_955 = tpu.vector_load %arg14[%get3A_953, %get3A_954] {strides = array<i32>} : memref<3328x16xf32, #tpu.memory_space<vmem>>, vector<1x16xf32>,
        %get3A_956 = vector.shape_cast %get3A_955 : vector<1x16xf32> to vector<16xf32>
        %add3A_957 = arith.addf %get3A_956, %get3A_86 : vector<16xf32>
        %add3A_958 = arith.constant 1 : i32
        %add3A_959 = arith.addi %mul3A_690, %add3A_958 : i32
        %add3A_960 = arith.constant 16 : i32
        %add3A_961 = arith.addi %add3A_959, %add3A_960 : i32
        %swap3A_962 = arith.index_cast %add3A_961 : i32 to index
        %swap3A_963 = arith.constant 0 : index
        %swap3A_964 = tpu.vector_load %arg16[%swap3A_962, %swap3A_963] {strides = array<i32>} : memref<3584x16xf32, #tpu.memory_space<vmem>>, vector<1x16xf32>,
        %swap3A_965 = vector.shape_cast %swap3A_964 : vector<1x16xf32> to vector<16xf32>
        %swap3A_966 = vector.shape_cast %add3A_957 : vector<16xf32> to vector<1x16xf32>
        tpu.vector_store %arg16[%swap3A_962, %swap3A_963], %swap3A_966 {strides = array<i32>} : memref<3584x16xf32, #tpu.memory_space<vmem>>, vector<1x16xf32>,
        %add3A_967 = arith.constant 17 : i32
        %add3A_968 = arith.addi %mul3A_688, %add3A_967 : i32
        %get3A_969 = arith.index_cast %add3A_968 : i32 to index
        %get3A_970 = arith.constant 0 : index
        %get3A_971 = tpu.vector_load %arg14[%get3A_969, %get3A_970] {strides = array<i32>} : memref<3328x16xf32, #tpu.memory_space<vmem>>, vector<1x16xf32>,
        %get3A_972 = vector.shape_cast %get3A_971 : vector<1x16xf32> to vector<16xf32>
        %add3A_973 = arith.addf %get3A_972, %get3A_91 : vector<16xf32>
        %add3A_974 = arith.constant 1 : i32
        %add3A_975 = arith.addi %mul3A_690, %add3A_974 : i32
        %add3A_976 = arith.constant 17 : i32
        %add3A_977 = arith.addi %add3A_975, %add3A_976 : i32
        %swap3A_978 = arith.index_cast %add3A_977 : i32 to index
        %swap3A_979 = arith.constant 0 : index
        %swap3A_980 = tpu.vector_load %arg16[%swap3A_978, %swap3A_979] {strides = array<i32>} : memref<3584x16xf32, #tpu.memory_space<vmem>>, vector<1x16xf32>,
        %swap3A_981 = vector.shape_cast %swap3A_980 : vector<1x16xf32> to vector<16xf32>
        %swap3A_982 = vector.shape_cast %add3A_973 : vector<16xf32> to vector<1x16xf32>
        tpu.vector_store %arg16[%swap3A_978, %swap3A_979], %swap3A_982 {strides = array<i32>} : memref<3584x16xf32, #tpu.memory_space<vmem>>, vector<1x16xf32>,
        %add3A_983 = arith.constant 18 : i32
        %add3A_984 = arith.addi %mul3A_688, %add3A_983 : i32
        %get3A_985 = arith.index_cast %add3A_984 : i32 to index
        %get3A_986 = arith.constant 0 : index
        %get3A_987 = tpu.vector_load %arg14[%get3A_985, %get3A_986] {strides = array<i32>} : memref<3328x16xf32, #tpu.memory_space<vmem>>, vector<1x16xf32>,
        %get3A_988 = vector.shape_cast %get3A_987 : vector<1x16xf32> to vector<16xf32>
        %add3A_989 = arith.addf %get3A_988, %get3A_96 : vector<16xf32>
        %add3A_990 = arith.constant 1 : i32
        %add3A_991 = arith.addi %mul3A_690, %add3A_990 : i32
        %add3A_992 = arith.constant 18 : i32
        %add3A_993 = arith.addi %add3A_991, %add3A_992 : i32
        %swap3A_994 = arith.index_cast %add3A_993 : i32 to index
        %swap3A_995 = arith.constant 0 : index
        %swap3A_996 = tpu.vector_load %arg16[%swap3A_994, %swap3A_995] {strides = array<i32>} : memref<3584x16xf32, #tpu.memory_space<vmem>>, vector<1x16xf32>,
        %swap3A_997 = vector.shape_cast %swap3A_996 : vector<1x16xf32> to vector<16xf32>
        %swap3A_998 = vector.shape_cast %add3A_989 : vector<16xf32> to vector<1x16xf32>
        tpu.vector_store %arg16[%swap3A_994, %swap3A_995], %swap3A_998 {strides = array<i32>} : memref<3584x16xf32, #tpu.memory_space<vmem>>, vector<1x16xf32>,
        %add3A_999 = arith.constant 19 : i32
        %add3A_1000 = arith.addi %mul3A_688, %add3A_999 : i32
        %get3A_1001 = arith.index_cast %add3A_1000 : i32 to index
        %get3A_1002 = arith.constant 0 : index
        %get3A_1003 = tpu.vector_load %arg14[%get3A_1001, %get3A_1002] {strides = array<i32>} : memref<3328x16xf32, #tpu.memory_space<vmem>>, vector<1x16xf32>,
        %get3A_1004 = vector.shape_cast %get3A_1003 : vector<1x16xf32> to vector<16xf32>
        %add3A_1005 = arith.addf %get3A_1004, %get3A_101 : vector<16xf32>
        %add3A_1006 = arith.constant 1 : i32
        %add3A_1007 = arith.addi %mul3A_690, %add3A_1006 : i32
        %add3A_1008 = arith.constant 19 : i32
        %add3A_1009 = arith.addi %add3A_1007, %add3A_1008 : i32
        %swap3A_1010 = arith.index_cast %add3A_1009 : i32 to index
        %swap3A_1011 = arith.constant 0 : index
        %swap3A_1012 = tpu.vector_load %arg16[%swap3A_1010, %swap3A_1011] {strides = array<i32>} : memref<3584x16xf32, #tpu.memory_space<vmem>>, vector<1x16xf32>,
        %swap3A_1013 = vector.shape_cast %swap3A_1012 : vector<1x16xf32> to vector<16xf32>
        %swap3A_1014 = vector.shape_cast %add3A_1005 : vector<16xf32> to vector<1x16xf32>
        tpu.vector_store %arg16[%swap3A_1010, %swap3A_1011], %swap3A_1014 {strides = array<i32>} : memref<3584x16xf32, #tpu.memory_space<vmem>>, vector<1x16xf32>,
        %add3A_1015 = arith.constant 20 : i32
        %add3A_1016 = arith.addi %mul3A_688, %add3A_1015 : i32
        %get3A_1017 = arith.index_cast %add3A_1016 : i32 to index
        %get3A_1018 = arith.constant 0 : index
        %get3A_1019 = tpu.vector_load %arg14[%get3A_1017, %get3A_1018] {strides = array<i32>} : memref<3328x16xf32, #tpu.memory_space<vmem>>, vector<1x16xf32>,
        %get3A_1020 = vector.shape_cast %get3A_1019 : vector<1x16xf32> to vector<16xf32>
        %add3A_1021 = arith.addf %get3A_1020, %get3A_106 : vector<16xf32>
        %add3A_1022 = arith.constant 1 : i32
        %add3A_1023 = arith.addi %mul3A_690, %add3A_1022 : i32
        %add3A_1024 = arith.constant 20 : i32
        %add3A_1025 = arith.addi %add3A_1023, %add3A_1024 : i32
        %swap3A_1026 = arith.index_cast %add3A_1025 : i32 to index
        %swap3A_1027 = arith.constant 0 : index
        %swap3A_1028 = tpu.vector_load %arg16[%swap3A_1026, %swap3A_1027] {strides = array<i32>} : memref<3584x16xf32, #tpu.memory_space<vmem>>, vector<1x16xf32>,
        %swap3A_1029 = vector.shape_cast %swap3A_1028 : vector<1x16xf32> to vector<16xf32>
        %swap3A_1030 = vector.shape_cast %add3A_1021 : vector<16xf32> to vector<1x16xf32>
        tpu.vector_store %arg16[%swap3A_1026, %swap3A_1027], %swap3A_1030 {strides = array<i32>} : memref<3584x16xf32, #tpu.memory_space<vmem>>, vector<1x16xf32>,
        %add3A_1031 = arith.constant 21 : i32
        %add3A_1032 = arith.addi %mul3A_688, %add3A_1031 : i32
        %get3A_1033 = arith.index_cast %add3A_1032 : i32 to index
        %get3A_1034 = arith.constant 0 : index
        %get3A_1035 = tpu.vector_load %arg14[%get3A_1033, %get3A_1034] {strides = array<i32>} : memref<3328x16xf32, #tpu.memory_space<vmem>>, vector<1x16xf32>,
        %get3A_1036 = vector.shape_cast %get3A_1035 : vector<1x16xf32> to vector<16xf32>
        %add3A_1037 = arith.addf %get3A_1036, %get3A_111 : vector<16xf32>
        %add3A_1038 = arith.constant 1 : i32
        %add3A_1039 = arith.addi %mul3A_690, %add3A_1038 : i32
        %add3A_1040 = arith.constant 21 : i32
        %add3A_1041 = arith.addi %add3A_1039, %add3A_1040 : i32
        %swap3A_1042 = arith.index_cast %add3A_1041 : i32 to index
        %swap3A_1043 = arith.constant 0 : index
        %swap3A_1044 = tpu.vector_load %arg16[%swap3A_1042, %swap3A_1043] {strides = array<i32>} : memref<3584x16xf32, #tpu.memory_space<vmem>>, vector<1x16xf32>,
        %swap3A_1045 = vector.shape_cast %swap3A_1044 : vector<1x16xf32> to vector<16xf32>
        %swap3A_1046 = vector.shape_cast %add3A_1037 : vector<16xf32> to vector<1x16xf32>
        tpu.vector_store %arg16[%swap3A_1042, %swap3A_1043], %swap3A_1046 {strides = array<i32>} : memref<3584x16xf32, #tpu.memory_space<vmem>>, vector<1x16xf32>,
        %add3A_1047 = arith.constant 22 : i32
        %add3A_1048 = arith.addi %mul3A_688, %add3A_1047 : i32
        %get3A_1049 = arith.index_cast %add3A_1048 : i32 to index
        %get3A_1050 = arith.constant 0 : index
        %get3A_1051 = tpu.vector_load %arg14[%get3A_1049, %get3A_1050] {strides = array<i32>} : memref<3328x16xf32, #tpu.memory_space<vmem>>, vector<1x16xf32>,
        %get3A_1052 = vector.shape_cast %get3A_1051 : vector<1x16xf32> to vector<16xf32>
        %add3A_1053 = arith.addf %get3A_1052, %get3A_116 : vector<16xf32>
        %add3A_1054 = arith.constant 1 : i32
        %add3A_1055 = arith.addi %mul3A_690, %add3A_1054 : i32
        %add3A_1056 = arith.constant 22 : i32
        %add3A_1057 = arith.addi %add3A_1055, %add3A_1056 : i32
        %swap3A_1058 = arith.index_cast %add3A_1057 : i32 to index
        %swap3A_1059 = arith.constant 0 : index
        %swap3A_1060 = tpu.vector_load %arg16[%swap3A_1058, %swap3A_1059] {strides = array<i32>} : memref<3584x16xf32, #tpu.memory_space<vmem>>, vector<1x16xf32>,
        %swap3A_1061 = vector.shape_cast %swap3A_1060 : vector<1x16xf32> to vector<16xf32>
        %swap3A_1062 = vector.shape_cast %add3A_1053 : vector<16xf32> to vector<1x16xf32>
        tpu.vector_store %arg16[%swap3A_1058, %swap3A_1059], %swap3A_1062 {strides = array<i32>} : memref<3584x16xf32, #tpu.memory_space<vmem>>, vector<1x16xf32>,
        %add3A_1063 = arith.constant 23 : i32
        %add3A_1064 = arith.addi %mul3A_688, %add3A_1063 : i32
        %get3A_1065 = arith.index_cast %add3A_1064 : i32 to index
        %get3A_1066 = arith.constant 0 : index
        %get3A_1067 = tpu.vector_load %arg14[%get3A_1065, %get3A_1066] {strides = array<i32>} : memref<3328x16xf32, #tpu.memory_space<vmem>>, vector<1x16xf32>,
        %get3A_1068 = vector.shape_cast %get3A_1067 : vector<1x16xf32> to vector<16xf32>
        %add3A_1069 = arith.addf %get3A_1068, %get3A_121 : vector<16xf32>
        %add3A_1070 = arith.constant 1 : i32
        %add3A_1071 = arith.addi %mul3A_690, %add3A_1070 : i32
        %add3A_1072 = arith.constant 23 : i32
        %add3A_1073 = arith.addi %add3A_1071, %add3A_1072 : i32
        %swap3A_1074 = arith.index_cast %add3A_1073 : i32 to index
        %swap3A_1075 = arith.constant 0 : index
        %swap3A_1076 = tpu.vector_load %arg16[%swap3A_1074, %swap3A_1075] {strides = array<i32>} : memref<3584x16xf32, #tpu.memory_space<vmem>>, vector<1x16xf32>,
        %swap3A_1077 = vector.shape_cast %swap3A_1076 : vector<1x16xf32> to vector<16xf32>
        %swap3A_1078 = vector.shape_cast %add3A_1069 : vector<16xf32> to vector<1x16xf32>
        tpu.vector_store %arg16[%swap3A_1074, %swap3A_1075], %swap3A_1078 {strides = array<i32>} : memref<3584x16xf32, #tpu.memory_space<vmem>>, vector<1x16xf32>,
        %add3A_1079 = arith.constant 24 : i32
        %add3A_1080 = arith.addi %mul3A_688, %add3A_1079 : i32
        %get3A_1081 = arith.index_cast %add3A_1080 : i32 to index
        %get3A_1082 = arith.constant 0 : index
        %get3A_1083 = tpu.vector_load %arg14[%get3A_1081, %get3A_1082] {strides = array<i32>} : memref<3328x16xf32, #tpu.memory_space<vmem>>, vector<1x16xf32>,
        %get3A_1084 = vector.shape_cast %get3A_1083 : vector<1x16xf32> to vector<16xf32>
        %add3A_1085 = arith.addf %get3A_1084, %get3A_126 : vector<16xf32>
        %add3A_1086 = arith.constant 1 : i32
        %add3A_1087 = arith.addi %mul3A_690, %add3A_1086 : i32
        %add3A_1088 = arith.constant 24 : i32
        %add3A_1089 = arith.addi %add3A_1087, %add3A_1088 : i32
        %swap3A_1090 = arith.index_cast %add3A_1089 : i32 to index
        %swap3A_1091 = arith.constant 0 : index
        %swap3A_1092 = tpu.vector_load %arg16[%swap3A_1090, %swap3A_1091] {strides = array<i32>} : memref<3584x16xf32, #tpu.memory_space<vmem>>, vector<1x16xf32>,
        %swap3A_1093 = vector.shape_cast %swap3A_1092 : vector<1x16xf32> to vector<16xf32>
        %swap3A_1094 = vector.shape_cast %add3A_1085 : vector<16xf32> to vector<1x16xf32>
        tpu.vector_store %arg16[%swap3A_1090, %swap3A_1091], %swap3A_1094 {strides = array<i32>} : memref<3584x16xf32, #tpu.memory_space<vmem>>, vector<1x16xf32>,
        %add3A_1095 = arith.constant 25 : i32
        %add3A_1096 = arith.addi %mul3A_688, %add3A_1095 : i32
        %get3A_1097 = arith.index_cast %add3A_1096 : i32 to index
        %get3A_1098 = arith.constant 0 : index
        %get3A_1099 = tpu.vector_load %arg14[%get3A_1097, %get3A_1098] {strides = array<i32>} : memref<3328x16xf32, #tpu.memory_space<vmem>>, vector<1x16xf32>,
        %get3A_1100 = vector.shape_cast %get3A_1099 : vector<1x16xf32> to vector<16xf32>
        %add3A_1101 = arith.addf %get3A_1100, %get3A_131 : vector<16xf32>
        %add3A_1102 = arith.constant 1 : i32
        %add3A_1103 = arith.addi %mul3A_690, %add3A_1102 : i32
        %add3A_1104 = arith.constant 25 : i32
        %add3A_1105 = arith.addi %add3A_1103, %add3A_1104 : i32
        %swap3A_1106 = arith.index_cast %add3A_1105 : i32 to index
        %swap3A_1107 = arith.constant 0 : index
        %swap3A_1108 = tpu.vector_load %arg16[%swap3A_1106, %swap3A_1107] {strides = array<i32>} : memref<3584x16xf32, #tpu.memory_space<vmem>>, vector<1x16xf32>,
        %swap3A_1109 = vector.shape_cast %swap3A_1108 : vector<1x16xf32> to vector<16xf32>
        %swap3A_1110 = vector.shape_cast %add3A_1101 : vector<16xf32> to vector<1x16xf32>
        tpu.vector_store %arg16[%swap3A_1106, %swap3A_1107], %swap3A_1110 {strides = array<i32>} : memref<3584x16xf32, #tpu.memory_space<vmem>>, vector<1x16xf32>,
        %get3A_1111 = arith.index_cast %scan3A_685 : i32 to index
        %get3A_1112 = arith.constant 0 : index
        %get3A_1113 = tpu.vector_load %arg15[%get3A_1111, %get3A_1112] {strides = array<i32>} : memref<128x16xf32, #tpu.memory_space<vmem>>, vector<1x16xf32>,
        %get3A_1114 = vector.shape_cast %get3A_1113 : vector<1x16xf32> to vector<16xf32>
        %add3A_1115 = arith.constant 26 : i32
        %add3A_1116 = arith.addi %mul3A_690, %add3A_1115 : i32
        %add3A_1117 = arith.constant 1 : i32
        %add3A_1118 = arith.addi %add3A_1116, %add3A_1117 : i32
        %swap3A_1119 = arith.index_cast %add3A_1118 : i32 to index
        %swap3A_1120 = arith.constant 0 : index
        %swap3A_1121 = tpu.vector_load %arg16[%swap3A_1119, %swap3A_1120] {strides = array<i32>} : memref<3584x16xf32, #tpu.memory_space<vmem>>, vector<1x16xf32>,
        %swap3A_1122 = vector.shape_cast %swap3A_1121 : vector<1x16xf32> to vector<16xf32>
        %swap3A_1123 = vector.shape_cast %get3A_1114 : vector<16xf32> to vector<1x16xf32>
        tpu.vector_store %arg16[%swap3A_1119, %swap3A_1120], %swap3A_1123 {strides = array<i32>} : memref<3584x16xf32, #tpu.memory_space<vmem>>, vector<1x16xf32>,
        %scan3A_1124 = arith.constant 0 : i32
        scf.yield %scan3A_1124 : i32
      }
      %scan3A_681 = arith.constant 128 : i32
      %mul3A_682 = arith.constant 28 : i32
      %mul3A_683 = arith.muli %add3A_147, %mul3A_682 : i32
      "tpu.region"() ({
        %run_scoped3A = tpu.sem_alloc : memref<!tpu.dma_semaphore, #tpu.memory_space<semaphore_mem>>
        %dma_start3A_685 = arith.constant 0 : i32
        %dma_start3A_686 = tpu.memref_slice %arg8[%mul3A_683, %dma_start3A_685] : memref<458752x16xf32, #tpu.memory_space<hbm>> -> memref<3584x16xf32, #tpu.memory_space<hbm>>
        %dma_start3A_687 = arith.constant 0 : i32
        %dma_start3A_688 = tpu.memref_slice %arg8[%mul3A_683, %dma_start3A_687] : memref<458752x16xf32, #tpu.memory_space<hbm>> -> memref<3584x16xf32, #tpu.memory_space<hbm>>
        tpu.enqueue_dma source(%arg16 : memref<3584x16xf32, #tpu.memory_space<vmem>>) target(%dma_start3A_688 : memref<3584x16xf32, #tpu.memory_space<hbm>>) target_semaphore(%run_scoped3A : memref<!tpu.dma_semaphore, #tpu.memory_space<semaphore_mem>>)
        %dma_wait3A_689 = arith.constant 0 : i32
        %dma_wait3A_690 = tpu.memref_slice %arg8[%mul3A_683, %dma_wait3A_689] : memref<458752x16xf32, #tpu.memory_space<hbm>> -> memref<3584x16xf32, #tpu.memory_space<hbm>>
        %dma_wait3A_691 = arith.constant 0 : i32
        %dma_wait3A_692 = tpu.memref_slice %arg8[%mul3A_683, %dma_wait3A_691] : memref<458752x16xf32, #tpu.memory_space<hbm>> -> memref<3584x16xf32, #tpu.memory_space<hbm>>
        tpu.wait_dma2 semaphore(%run_scoped3A : memref<!tpu.dma_semaphore, #tpu.memory_space<semaphore_mem>>) src(%arg16 : memref<3584x16xf32, #tpu.memory_space<vmem>>) dst(%dma_wait3A_692 : memref<3584x16xf32, #tpu.memory_space<hbm>>)
        tpu.yield
      }) : () -> ()
      %scan3A_684 = arith.constant 0 : i32
      scf.yield %scan3A_684 : i32
    }
    %scan3A_142 = arith.constant 4 : i32
    return
  }
}

module attributes {stable_mosaic.version = 14 : i64} {
  func.func @_cont_tc_body(%arg0: i32, %arg1: memref<512x13xf32, #tpu.memory_space<vmem>>, %arg2: memref<16x13xf32, #tpu.memory_space<vmem>>, %arg3: memref<1x16xf32, #tpu.memory_space<vmem>>, %arg4: memref<27x16xf32, #tpu.memory_space<vmem>>, %arg5: memref<512x16xf32, #tpu.memory_space<vmem>>) attributes {dimension_semantics = [#tpu.dimension_semantics<arbitrary>], iteration_bounds = array<i64: 32>, scalar_prefetch = 0 : i64, scratch_operands = 0 : i64, tpu.core_type = #tpu.core_type<tc>, window_params = [{transform_indices = @transform_0, window_bounds = array<i64: 512, 13>}, {pipeline_mode = #tpu.pipeline_mode<synchronous>, transform_indices = @transform_1, window_bounds = array<i64: 16, 13>}, {pipeline_mode = #tpu.pipeline_mode<synchronous>, transform_indices = @transform_2, window_bounds = array<i64: 1, 16>}, {pipeline_mode = #tpu.pipeline_mode<synchronous>, transform_indices = @transform_3, window_bounds = array<i64: 27, 16>}, {transform_indices = @transform_4, window_bounds = array<i64: 512, 16>}]} {
    %get3A = arith.constant 0 : index
    %get3A_0 = arith.constant 0 : index
    %get3A_1 = vector.load %arg1[%get3A, %get3A_0] : memref<512x13xf32, #tpu.memory_space<vmem>>, vector<512x13xf32>
    %get3A_2 = arith.constant 0 : index
    %get3A_3 = arith.constant 0 : index
    %get3A_4 = vector.load %arg2[%get3A_2, %get3A_3] : memref<16x13xf32, #tpu.memory_space<vmem>>, vector<16x13xf32>
    %dot_general3A = arith.constant dense<0.000000e+00> : vector<512x16xf32>
    %dot_general3A_5 = tpu.matmul %get3A_1, %get3A_4, %dot_general3A {dimension_numbers = #tpu.dot_dimension_numbers<[1], [1], [0], [0], [0, 0, 1, 0], [], []>, transpose_lhs_hint = false} : vector<512x13xf32>, vector<16x13xf32>, vector<512x16xf32> -> vector<512x16xf32>
    %get3A_6 = arith.constant 0 : index
    %get3A_7 = arith.constant 0 : index
    %get3A_8 = vector.load %arg3[%get3A_6, %get3A_7] : memref<1x16xf32, #tpu.memory_space<vmem>>, vector<1x16xf32>
    %add3A = vector.broadcast %get3A_8 : vector<1x16xf32> to vector<512x16xf32>
    %add3A_9 = arith.addf %dot_general3A_5, %add3A : vector<512x16xf32>
    %get3A_10 = arith.constant 26 : index
    %get3A_11 = arith.constant 0 : index
    %get3A_12 = vector.load %arg4[%get3A_10, %get3A_11] : memref<27x16xf32, #tpu.memory_space<vmem>>, vector<1x16xf32>
    %add3A_13 = vector.broadcast %get3A_12 : vector<1x16xf32> to vector<512x16xf32>
    %add3A_14 = arith.addf %add3A_9, %add3A_13 : vector<512x16xf32>
    %swap3A = arith.constant 0 : index
    %swap3A_15 = arith.constant 0 : index
    %swap3A_16 = vector.load %arg5[%swap3A, %swap3A_15] : memref<512x16xf32, #tpu.memory_space<vmem>>, vector<512x16xf32>
    tpu.vector_store %arg5[%swap3A, %swap3A_15], %add3A_14 {strides = array<i32>} : memref<512x16xf32, #tpu.memory_space<vmem>>, vector<512x16xf32>,
    return
  }
  func.func @transform_0(%arg0: i32) -> (i32, i32) {
    %c0_i32 = arith.constant 0 : i32
    %c0_i32_0 = arith.constant 0 : i32
    return %arg0, %c0_i32 : i32, i32
  }
  func.func @transform_1(%arg0: i32) -> (i32, i32) {
    %c0_i32 = arith.constant 0 : i32
    %c0_i32_0 = arith.constant 0 : i32
    %c0_i32_1 = arith.constant 0 : i32
    return %c0_i32, %c0_i32_0 : i32, i32
  }
  func.func @transform_2(%arg0: i32) -> (i32, i32) {
    %c0_i32 = arith.constant 0 : i32
    %c0_i32_0 = arith.constant 0 : i32
    %c0_i32_1 = arith.constant 0 : i32
    return %c0_i32, %c0_i32_0 : i32, i32
  }
  func.func @transform_3(%arg0: i32) -> (i32, i32) {
    %c0_i32 = arith.constant 0 : i32
    %c0_i32_0 = arith.constant 0 : i32
    %c0_i32_1 = arith.constant 0 : i32
    return %c0_i32, %c0_i32_0 : i32, i32
  }
  func.func @transform_4(%arg0: i32) -> (i32, i32) {
    %c0_i32 = arith.constant 0 : i32
    %c0_i32_0 = arith.constant 0 : i32
    return %arg0, %c0_i32 : i32, i32
  }
}

</mosaic_0001>

<sc_bundles>
// kernel: kernel.4.cloned.1.call-start
scs
__scs_entry_jumppad:
0x0: {  	(pc) =	sbr.rel $0x88, $3  }
0x1: {  	(tag) =	ssettag $0x0;
	lr =	simm.s32 $0x1  }
0x2: {  	[smem:$0x3F9A] =	sst lr;
	_ =	strace $0xD0000000  }
0x3: {  	_ = 	snop  }
0x4: {  	_ = 	snop  }
0x5: {  	_ = 	snop  }
0x6: {  	_ = 	snop  }
0x7: {  	_ = 	snop  }
__scs_overlays_trampoline_lowered:
0x8: {  	[smem:$0x3FA9] =	sst s0  }
0x9: {  	[smem:$0x3FAA] =	sst s1  }
0xa: {  	[smem:$0x3FAB] =	sst s2  }
0xb: {  	[smem:$0x3FAC] =	sst s3  }
0xc: {  	[smem:$0x3FAD] =	sst s4  }
0xd: {  	[smem:$0x3FAE] =	sst s5  }
0xe: {  	[smem:$0x3FAF] =	sst s6  }
0xf: {  	[smem:$0x3FB0] =	sst s7  }
0x10: {  	[smem:$0x3FB1] =	sst s8  }
0x11: {  	[smem:$0x3FB2] =	sst s9;
	s0 =	simm.s32 @!p0 $0x0  }
0x12: {  	s1 =	sld [smem:$0x3F98];
	s0 =	simm.s32 @p0 $0x1  }
0x13: {  	[smem:$0x3FB3] =	sst s0;
	s0 =	simm.s32 @!p1 $0x0  }
0x14: {  	s2 =	sld [smem:$0x3F97];
	s0 =	simm.s32 @p1 $0x1  }
0x15: {  	[smem:$0x3FB4] =	sst s0;
	s0 =	simm.s32 @!p2 $0x0  }
0x16: {  	s3 =	sld [smem:$0x3FDB];
	s0 =	simm.s32 @p2 $0x1  }
0x17: {  	s4 =	simm.s32 $0x1BF5;
	[smem:$0x3FB6] =	sst s0  }
0x18: {  	s0 =	sld [smem:$0x3F99];
	_ =	swait.ge [sflag:s4], $0x0  }
0x19: {  	s7 =	sld [smem:$0x3F9A]  }
0x1a: {  	s8 =	sadd.s32 $0xFFFFE003, lr  }
0x1b: {  	s9 =	sadd.s32 $0xFFFFFEF7, lr;
	s5 =	simm.s32 $0xFFFFFFFF;
	p2 =	slt.u32 s8, $0xFFFFF086  }
0x1c: {  	p1 =	slt.u32 s9, $0xF7A;
	s5 =	simm.s32 @!p2 $0x0  }
0x1d: {  	s5 =	simm.s32 @p1 $0x1;
	p0 =	seq.s32 s7, s2  }
0x1e: {  	s7 =	smul.u32 @!p0 $0xF7A, s2;
	p2 =	seq.s32 @!p0 s5, $0x0  }
0x1f: {  	s9 =	smul.u32 $0xF7A, s1;
	s8 =	simm.s32 @!p0 $0x1BF5;
	p2 =	por !p2, p0  }
0x20: {  	[sflag:s8] =	ssyncset.s32 @!p0 $0xFFFFF086;
	s6 =	sadd.s32 @!p0 s3, s7;
	s7 =	simm.s32 @!p0 $0x108  }
0x21: {  	s3 =	sadd.s32 s3, s9;
	s6 =	sadd.s32 @!p0 $0x88, s6;
	s7 =	simm.s32 @p2 $0x1082  }
0x22: {  	[simem:s7], [sflag:s8] =	dma.local @!p0 [hbm:s6], $0xF7A  }
0x23: {  	s9 =	sor.u32 $0xD0000000, s2;
	s6 =	simm.s32 $0x108;
	_ =	swait.ge @!p0 [sflag:s8], $0x0  }
0x24: {  	s3 =	sadd.s32 $0x88, s3;
	s6 =	simm.s32 @!p1 $0x1082;
	[sflag:s4] =	ssyncset.s32 $0xFFFFF086  }
0x25: {  	[simem:s6], [sflag:s4] =	dma.local [hbm:s3], $0xF7A  }
0x26: {  	[smem:$0x3F9A] =	sst s1;
	(tag) =	ssettag s2;
	_ =	strace s9  }
0x27: {  	s1 =	sld [smem:$0x3FAA]  }
0x28: {  	s2 =	sld [smem:$0x3FAB]  }
0x29: {  	s4 =	sld [smem:$0x3FAD]  }
0x2a: {  	p0 =	seq.s32 s5, $0x0;
	s5 =	sld [smem:$0x3FAE]  }
0x2b: {  	s6 =	sld [smem:$0x3FAF]  }
0x2c: {  	s7 =	sld [smem:$0x3FB0]  }
0x2d: {  	s3 =	simm.s32 $0x108;
	s8 =	sld [smem:$0x3FB1]  }
0x2e: {  	s3 =	simm.s32 @!p0 $0x1082;
	s9 =	sld [smem:$0x3FB2]  }
0x2f: {  	lr =	sadd.s32 s0, s3;
	s0 =	sld [smem:$0x3FA9]  }
0x30: {  	s3 =	sld [smem:$0x3FAC]  }
0x31: {  	[smem:$0x3FB5] =	sst s10  }
0x32: {  	s10 =	sld [smem:$0x3FB3];
	_ =	sdelay $0x3  }
0x33: {  	p0 =	seq.s32 s10, $0x1;
	s10 =	sld [smem:$0x3FB5];
	_ =	sdelay $0x3  }
0x34: {  	[smem:$0x3FB5] =	sst s10  }
0x35: {  	s10 =	sld [smem:$0x3FB4];
	_ =	sdelay $0x3  }
0x36: {  	p1 =	seq.s32 s10, $0x1;
	s10 =	sld [smem:$0x3FB5];
	_ =	sdelay $0x3  }
0x37: {  	[smem:$0x3FB5] =	sst s10  }
0x38: {  	s10 =	sld [smem:$0x3FB6]  }
0x39: {  	_ = 	snop;
	(pc) =	sbr.ind lr, $3  }
0x3a: {  	_ = 	snop  }
0x3b: {  	_ = 	snop  }
0x3c: {  	p2 =	seq.s32 s10, $0x1;
	s10 =	sld [smem:$0x3FB5]  }
0x3d: {  	_ =	shalt  }
0x3e: {  	_ =	shalt  }
0x3f: {  	_ =	shalt  }
0x40: {  	_ =	shalt  }
0x41: {  	_ =	shalt  }
0x42: {  	_ =	shalt  }
0x43: {  	_ =	shalt  }
0x44: {  	_ =	shalt  }
0x45: {  	_ =	shalt  }
0x46: {  	_ =	shalt  }
0x47: {  	_ =	shalt  }
0x48: {  	_ =	shalt  }
0x49: {  	_ =	shalt  }
0x4a: {  	_ =	shalt  }
0x4b: {  	_ =	shalt  }
0x4c: {  	_ =	shalt  }
0x4d: {  	_ =	shalt  }
0x4e: {  	_ =	shalt  }
0x4f: {  	_ =	shalt  }
0x50: {  	_ =	shalt  }
0x51: {  	_ =	shalt  }
0x52: {  	_ =	shalt  }
0x53: {  	_ =	shalt  }
0x54: {  	_ =	shalt  }
0x55: {  	_ =	shalt  }
0x56: {  	_ =	shalt  }
0x57: {  	_ =	shalt  }
0x58: {  	_ =	shalt  }
0x59: {  	_ =	shalt  }
0x5a: {  	_ =	shalt  }
0x5b: {  	_ =	shalt  }
0x5c: {  	_ =	shalt  }
0x5d: {  	_ =	shalt  }
0x5e: {  	_ =	shalt  }
0x5f: {  	_ =	shalt  }
0x60: {  	_ =	shalt  }
0x61: {  	_ =	shalt  }
0x62: {  	_ =	shalt  }
0x63: {  	_ =	shalt  }
0x64: {  	_ =	shalt  }
0x65: {  	_ =	shalt  }
0x66: {  	_ =	shalt  }
0x67: {  	_ =	shalt  }
0x68: {  	_ =	shalt  }
0x69: {  	_ =	shalt  }
0x6a: {  	_ =	shalt  }
0x6b: {  	_ =	shalt  }
0x6c: {  	_ =	shalt  }
0x6d: {  	_ =	shalt  }
0x6e: {  	_ =	shalt  }
0x6f: {  	_ =	shalt  }
0x70: {  	_ =	shalt  }
0x71: {  	_ =	shalt  }
0x72: {  	_ =	shalt  }
0x73: {  	_ =	shalt  }
0x74: {  	_ =	shalt  }
0x75: {  	_ =	shalt  }
0x76: {  	_ =	shalt  }
0x77: {  	_ =	shalt  }
0x78: {  	_ =	shalt  }
0x79: {  	_ =	shalt  }
0x7a: {  	_ =	shalt  }
0x7b: {  	_ =	shalt  }
0x7c: {  	_ =	shalt  }
0x7d: {  	_ =	shalt  }
0x7e: {  	_ =	shalt  }
0x7f: {  	_ =	shalt  }
0x80: {  	_ =	shalt  }
0x81: {  	_ =	shalt  }
0x82: {  	_ =	shalt  }
0x83: {  	_ =	shalt  }
0x84: {  	_ =	shalt  }
0x85: {  	_ =	shalt  }
0x86: {  	_ =	shalt  }
0x87: {  	_ =	shalt  }
.Lfunc_end0:
.L_simem_size_0:
called_computation.1_lowered:
.L_overlay_start_0:
0x88: {  	s2 =	sld [smem:$0x3FD9]  }
0x89: {  	s3 =	sld [smem:$0x3FFE];
	_ =	sdelay $0x1  }
0x8a: {  	s1 =	srdreg.scid  }
0x8b: {  	s0 =	sand.u32 $0x1, s1  }
0x8c: {  	s17 =	sshll.u32 s0, $0xA;
	s2 =	sadd.s32 s3, s2  }
0x8d: {  	s2 =	sadd.s32 s2, s17  }
0x8e: {  	[smem:$0x3FC1] =	sst s2  }
0x8f: {  	_ = 	snop  }
0x90: {  	s2 =	sld [smem:$0x3FC3]  }
0x91: {  	s18 =	sld [smem:$0x3FD0];
	(tm) =	ssettm $0x1  }
0x92: {  	s4 =	sld [smem:$0x3FFB];
	_ =	sdelay $0x3  }
0x93: {  	_ =	strace s4  }
0x94: {  	s4 =	sld [smem:$0x3FFC];
	_ =	sdelay $0x3  }
0x95: {  	_ =	strace s4  }
0x96: {  	s4 =	sld [smem:$0x3FFD];
	_ =	sdelay $0x3  }
0x97: {  	_ =	strace s4  }
0x98: {  	_ =	strace $0x8FFFFFFF  }
0x99: {  	s19 =	sld [smem:$0x3FDB];
	_ =	sdelay $0x1  }
0x9a: {  	s5 =	simm.s32 $_scs_section_size  }
0x9b: {  	s6 =	simm.s32 $_size__tile_overlayer_lowered;
	s7 =	simm.s32 $_tile_overlayer_lowered  }
0x9c: {  	s22 =	simm.s32 $0x1BFF;
	s21 =	sshll.u32 s7, $0x1;
	s4 =	sadd.s32 s5, s19  }
0x9d: {  	s8 =	simm.s32 $0x0;
	s20 =	sshll.u32 s6, $0x1;
	s6 =	sadd.s32 s21, s4  }
0x9e: {  	[timem:s8], [sflag:s22] =	dma.local [hbm:s6], s20  }
0x9f: {  	_ =	swait.ge [sflag:s22], s20  }
0xa0: {  	s5 =	ssub.s32 $0x0, s20;
	[sflag:s22] =	ssyncset.done $0x0  }
0xa1: {  	[sflag:s22] =	ssyncadd.s32 s5;
	_ =	sdelay $0x1  }
0xa2: {  	s23 =	simm.s32 $0x1B8B  }
0xa3: {  	_ =	swait.ge [sflag:s23], $0x1  }
0xa4: {  	[sflag:s23] =	ssyncset.done $0x0  }
0xa5: {  	s25 =	simm.s32 $0x1B8E;
	s24 =	sld [smem:$0x3FFE];
	[sflag:s23] =	ssyncadd.s32 $0xFFFFFFFF  }
0xa6: {  	s26 =	simm.s32 $execute0_lowered;
	[smem:$0x3FD2] =	sst s25  }
0xa7: {  	s6 =	sshll.u32 s26, $0x1;
	_ =	strace $0x80000049;
	[dreg:$0x1] =	wrdreg $0xFFFFFFFF  }
0xa8: {  	s28 =	simm.s32 $_size_execute0_lowered;
	s4 =	sadd.s32 s4, s6;
	[dreg:$0x0] =	wrdreg $0x0  }
0xa9: {  	s6 =	sshll.u32 s28, $0x1;
	[dreg:$0x2] =	wrdreg s4  }
0xaa: {  	[dreg:$0x3] =	wrdreg s6  }
0xab: {  	[dreg:$0x4] =	wrdreg $0xC0  }
0xac: {  	_ =	task [dreg:s8], $0x5FFFF  }
0xad: {  	[dreg:$0x1] =	wrdreg $0xFFFFFFFF  }
0xae: {  	[dreg:$0x0] =	wrdreg $0x60  }
0xaf: {  	[dreg:$0x2] =	wrdreg s24  }
0xb0: {  	[dreg:$0x3] =	wrdreg s2  }
0xb1: {  	[dreg:$0x4] =	wrdreg s18  }
0xb2: {  	[dreg:$0x5] =	wrdreg $0x9  }
0xb3: {  	_ =	task.clear_ibuf [dreg:s8], $0x6FFFF;
	_ =	strace $0x90000049  }
0xb4: {  	s29 =	simm.s32 $0x9;
	_ =	strace $0x8000004B  }
0xb5: {  	_ =	swait.ge [sflag:s29], $0x1  }
0xb6: {  	[sflag:s29] =	ssyncadd.s32 $0xFFFFFFFF  }
0xb7: {  	_ =	strace $0x9000004B  }
0xb8: {  	_ =	sfence  }
0xb9: {  	s30 =	sld [smem:$0x0];
	_ =	sdelay $0x2  }
0xba: {  	s31 =	sshll.u32 s1, $0xD;
	s1 =	sshrl.u32 s1, $0x2  }
0xbb: {  	s3 =	sand.u32 $0x4000, s31;
	s1 =	sadd.s32 s1, s30  }
0xbc: {  	s0 =	sor.u32 s3, s0;
	s1 =	sshll.u32 s1, $0x11  }
0xbd: {  	s0 =	sor.u32 s1, s0  }
0xbe: {  	s0 =	sadd.s32 $0x8F2B, s0  }
0xbf: {  	[sflag:s0] =	ssyncadd.remote.s32 $0x1  }
0xc0: {  	_ =	sfence.sel $0xFFFF  }
0xc1: {  	[dreg:$0x0] =	wrdreg $0xFFFFFFFF;
	(pc) =	sbr.abs _section_cstart, $3  }
0xc2: {  	[dreg:$0x1] =	wrdreg $0xFFFFFFFF  }
0xc3: {  	_ =	task.clear_ibuf [dreg:s8], $0x2FFFF;
	_ =	strace $0x9FFFFFFF  }
0xc4: {  	(tm) =	ssettm $0x7FFFFFFF  }
0xc5: {  	_ =	shalt  }
tec
execute0_lowered:
.L_overlay_start_1:
0x0: {  	(tag) =	ssettag $0x1  }
0x1: {  	s0 =	rddreg [dreg:$0x0];
	s3 =	simm.s32 $0x0  }
0x2: {  	s1 =	srdreg.scid;
	s6 =	stileid.u32;
	s13 =	simm.s32 $0x2  }
0x3: {  	s17 =	simm.s32 $0x80;
	s12 =	simm.s32 $0x1700;
	s14 =	simm.s32 $0xC8C0  }
0x4: {  	s15 =	simm.s32 $0x1780;
	s7 =	simm.s32 $0xD0C0;
	s8 =	simm.s32 $0x1800  }
0x5: {  	s11 =	simm.s32 $0xD8C0;
	s16 =	simm.s32 $0xE0C0;
	s18 =	simm.s32 $0x1900  }
0x6: {  	s19 =	simm.s32 $0xE8C0;
	s20 =	simm.s32 $0x1980;
	s21 =	simm.s32 $0xF0C0  }
0x7: {  	s22 =	simm.s32 $0x1;
	s23 =	simm.s32 $0x100C0;
	s24 =	simm.s32 $0x0  }
0x8: {  	[smem:$0x7FF] =	sst s3;
	s4 =	sadd.s32 $0x17200, s0;
	s5 =	sadd.s32 $0xA000, s0  }
0x9: {  	s1 =	sand.u32 $0x1, s1;
	s2 =	sadd.s32 $0x17000, s0;
	s28 =	sadd.s32 $0x1E00, s0  }
0xa: {  	s9 =	sadd.s32 $0x2000, s0;
	s31 =	sshll.u32 s6, $0xA;
	s29 =	ssub.s32 $0x2, s1  }
0xb: {  	_ =	strace $0x8000004A;
	[dreg:$0x4] =	wrdreg s2;
	s30 =	sshrl.u32 s29, $0x1  }
0xc: {  	s6 =	simm.s32 $0x1680;
	[dreg:$0x5] =	wrdreg s28;
	s0 =	ssub.s32 s29, s30  }
0xd: {  	s1 =	sshll.u32 s1, $0x9;
	s2 =	simm.s32 $0x1880;
	s0 =	smax.u32 s0, $0x1  }
0xe: {  	s10 =	sor.u32 s1, s31;
	s1 =	simm.s32 $0xC0C0;
	[dreg:$0x6] =	wrdreg s0  }
.LBB2_1:
0xf: {  	[dreg:$0x7] =	wrdreg s24  }
0x10: {  	s0 =	rddreg [dreg:$0x4];
	s26 =	simm.s32 $0x1A00  }
0x11: {  	[tilespmem:s26], [sflag:$0x2] =	stream.linear.gather [hbm4b:s0+s3], $0xD00, $0x38;
	[tilespmem:$0x1E0C0] =	vst v63  }
0x12: {  	_ =	swait.ge [sflag:s13], $0xD00  }
0x13: {  	[sflag:s13] =	ssyncset.done $0x0  }
0x14: {  	s29 =	simm.s32 $0x2700;
	s28 =	rddreg [dreg:$0x5];
	[sflag:s13] =	ssyncadd.s32 $0xFFFFF300  }
0x15: {  	[tilespmem:s29], [sflag:$0x2] =	stream.linear.gather [hbm4b:s28+s3], $0x1B0, $0x38;
	[tilespmem:$0x1E0C0] =	vst v63  }
0x16: {  	_ =	swait.ge [sflag:s13], $0x1B0  }
0x17: {  	[sflag:s13] =	ssyncset.done $0x0  }
0x18: {  	[sflag:s13] =	ssyncadd.s32 $0xFFFFFE50  }
0x19: {  	s31 =	simm.s32 $0x28B0;
	s30 =	rddreg [dreg:$0x1]  }
0x1a: {  	[tilespmem:s31], [sflag:$0x2] =	stream.linear.gather [hbm4b:s30+s3], $0x10, $0x38;
	[tilespmem:$0x1E0C0] =	vst v63  }
0x1b: {  	_ =	swait.ge [sflag:s13], $0x10  }
0x1c: {  	[sflag:s13] =	ssyncset.done $0x0  }
0x1d: {  	[sflag:s13] =	ssyncadd.s32 $0xFFFFFFF0  }
0x1e: {  	v0 =	vld [tilespmem:$0x2700]  }
0x1f: {  	v1 =	vld [tilespmem:$0x2710]  }
0x20: {  	v2 =	vld [tilespmem:$0x2720]  }
0x21: {  	v3 =	vld [tilespmem:$0x2730]  }
0x22: {  	v4 =	vld [tilespmem:$0x2740]  }
0x23: {  	v5 =	vld [tilespmem:$0x2750]  }
0x24: {  	v6 =	vld [tilespmem:$0x2760]  }
0x25: {  	v7 =	vld [tilespmem:$0x2770]  }
0x26: {  	v8 =	vld [tilespmem:$0x2780]  }
0x27: {  	v9 =	vld [tilespmem:$0x2790]  }
0x28: {  	v10 =	vld [tilespmem:$0x27A0]  }
0x29: {  	v11 =	vld [tilespmem:$0x27B0]  }
0x2a: {  	v12 =	vld [tilespmem:$0x27C0]  }
0x2b: {  	v13 =	vld [tilespmem:$0x27D0]  }
0x2c: {  	v14 =	vld [tilespmem:$0x27E0]  }
0x2d: {  	v15 =	vld [tilespmem:$0x27F0]  }
0x2e: {  	v16 =	vld [tilespmem:$0x2800]  }
0x2f: {  	v17 =	vld [tilespmem:$0x2810]  }
0x30: {  	v18 =	vld [tilespmem:$0x2820]  }
0x31: {  	v19 =	vld [tilespmem:$0x2830]  }
0x32: {  	v20 =	vld [tilespmem:$0x2840]  }
0x33: {  	v21 =	vld [tilespmem:$0x2850]  }
0x34: {  	v22 =	vld [tilespmem:$0x2860]  }
0x35: {  	v23 =	vld [tilespmem:$0x2870]  }
0x36: {  	v24 =	vld [tilespmem:$0x2880]  }
0x37: {  	v25 =	vld [tilespmem:$0x2890]  }
0x38: {  	s24 =	simm.s32 $0x0;
	v26 =	vld [tilespmem:$0x28B0]  }
.LBB2_2:
0x39: {  	s25 =	sshll.u32 s24, $0x7  }
0x3a: {  	s25 =	sadd.s32 s10, s25  }
0x3b: {  	s26 =	smul.u32 $0x1A, s25;
	_ =	sdelay $0x1  }
0x3c: {  	s26 =	sshrl.u32 s26, $0x3  }
0x3d: {  	s28 =	simm.s32 $0x0;
	s26 =	sadd.s32 s5, s26  }
0x3e: {  	[tilespmem:s28], [sflag:$0x2] =	stream.linear.gather [hbm4b:s26+s28], $0xD00, $0x38;
	[tilespmem:$0x1E0C0] =	vst v63  }
0x3f: {  	_ =	swait.ge [sflag:s13], $0xD00  }
0x40: {  	s31 =	sshll.u32 s25, $0x1;
	[sflag:s13] =	ssyncset.done $0x0  }
0x41: {  	s0 =	simm.s32 $0xF8C0;
	s26 =	sadd.s32 s9, s31;
	[sflag:s13] =	ssyncadd.s32 $0xFFFFF300  }
0x42: {  	[tilespmem:s0], [sflag:$0x2] =	stream.linear.gather [hbm4b:s26+s28], $0x800, $0x38;
	[tilespmem:$0x1E0C0] =	vst v63  }
0x43: {  	_ =	swait.ge [sflag:s13], $0x800  }
0x44: {  	[sflag:s13] =	ssyncset.done $0x0  }
0x45: {  	s26 =	simm.s32 $0x0;
	[sflag:s13] =	ssyncadd.s32 $0xFFFFF800  }
0x46: {  	v27 =	vld [tilespmem:s26+$0x70]  }
0x47: {  	v28 =	vld [tilespmem:s26+$0x1A70]  }
0x48: {  	v29 =	vld [tilespmem:s26+$0x0]  }
0x49: {  	v30 =	vld [tilespmem:s26+$0x1A00]  }
0x4a: {  	v31 =	vld [tilespmem:s26+$0x10]  }
0x4b: {  	v32 =	vld [tilespmem:s26+$0x1A10]  }
0x4c: {  	v33 =	vld [tilespmem:s26+$0x20]  }
0x4d: {  	v27 =	vadd.s32 v27, v28;
	v28 =	vld [tilespmem:s26+$0x1A20]  }
0x4e: {  	[tilespmem:s26+$0xD70] =	vst v27;
	v27 =	vadd.s32 v29, v30;
	v29 =	vld [tilespmem:s26+$0x30]  }
0x4f: {  	[tilespmem:s26+$0xD00] =	vst v27;
	v27 =	vld [tilespmem:s26+$0x1A30]  }
0x50: {  	v63 =	vld [tilespmem:s26+$0x40]  }
0x51: {  	v34 =	vld [tilespmem:s26+$0x1A40];
	v30 =	vadd.s32 v31, v32  }
0x52: {  	[tilespmem:s26+$0xD10] =	vst v30;
	v30 =	vadd.s32 v33, v28;
	v28 =	vld [tilespmem:s26+$0x50]  }
0x53: {  	[tilespmem:s26+$0xD20] =	vst v30;
	v30 =	vld [tilespmem:s26+$0x1A50]  }
0x54: {  	v31 =	vld [tilespmem:s26+$0x1A60];
	v27 =	vadd.s32 v29, v27  }
0x55: {  	s28 =	simm.s32 $0x80;
	v29 =	vld [tilespmem:s26+$0x60];
	[tilespmem:s26+$0xD30] =	vst v27  }
0x56: {  	s29 =	simm.s32 $0x400;
	v32 =	vadd.s32 v63, v34;
	v27 =	vld [tilespmem:s28+$0x70]  }
.LBB2_3:
0x57: {  	p0 =	sne.s32 s29, $0x3200;
	v33 =	vld [tilespmem:s28+$0x1A70];
	[tilespmem:s26+$0xD40] =	vst v32  }
0x58: {  	v32 =	vld [tilespmem:s28+$0x0];
	v28 =	vadd.s32 v28, v30  }
0x59: {  	v30 =	vld [tilespmem:s28+$0x1A00];
	[tilespmem:s26+$0xD50] =	vst v28  }
0x5a: {  	v28 =	vld [tilespmem:s28+$0x10];
	v29 =	vadd.s32 v29, v31  }
0x5b: {  	v31 =	vld [tilespmem:s28+$0x1A10];
	[tilespmem:s26+$0xD60] =	vst v29;
	s26 =	smov.u32 s28  }
0x5c: {  	v29 =	vld [tilespmem:s26+$0x20];
	v27 =	vadd.s32 v27, v33  }
0x5d: {  	v33 =	vld [tilespmem:s26+$0x1A20];
	[tilespmem:s26+$0xD70] =	vst v27  }
0x5e: {  	v27 =	vadd.s32 v32, v30;
	v32 =	vld [tilespmem:s26+$0x30]  }
0x5f: {  	[tilespmem:s26+$0xD00] =	vst v27;
	v27 =	vld [tilespmem:s26+$0x1A30]  }
0x60: {  	v28 =	vadd.s32 v28, v31;
	v34 =	vld [tilespmem:s26+$0x40]  }
0x61: {  	[tilespmem:s26+$0xD10] =	vst v28;
	v35 =	vld [tilespmem:s26+$0x1A40]  }
.Ltmp0:
0x62: {  	v29 =	vadd.s32 v29, v33;
	v28 =	vld [tilespmem:s26+$0x50];
	(pc) =	sbr.rel @p0 .LBB2_3-.Ltmp0, $4  }
0x63: {  	[tilespmem:s26+$0xD20] =	vst v29;
	v30 =	vld [tilespmem:s26+$0x1A50]  }
0x64: {  	v27 =	vadd.s32 v32, v27;
	v29 =	vld [tilespmem:s26+$0x60]  }
0x65: {  	s28 =	sshra.s32 s29, $0x2;
	[tilespmem:s26+$0xD30] =	vst v27;
	v31 =	vld [tilespmem:s26+$0x1A60]  }
0x66: {  	s29 =	sadd.s32 $0x200, s29;
	v27 =	vld [tilespmem:s28+$0x70];
	v32 =	vadd.s32 v34, v35  }
0x67: {  	v33 =	vld [tilespmem:s28+$0x1A70];
	[tilespmem:s26+$0xD40] =	vst v32  }
0x68: {  	v32 =	vld [tilespmem:s28+$0x0];
	v28 =	vadd.s32 v28, v30  }
0x69: {  	v54 =	vld [tilespmem:s28+$0x1A00];
	[tilespmem:s26+$0xD50] =	vst v28  }
0x6a: {  	v28 =	vld [tilespmem:s28+$0x10];
	v29 =	vadd.s32 v29, v31  }
0x6b: {  	v55 =	vld [tilespmem:s28+$0x1A10];
	[tilespmem:s26+$0xD60] =	vst v29  }
0x6c: {  	v29 =	vld [tilespmem:s28+$0x20]  }
0x6d: {  	v27 =	vadd.s32 v27, v33;
	v56 =	vld [tilespmem:s28+$0x1A20]  }
0x6e: {  	v57 =	vld [tilespmem:s28+$0x30];
	[tilespmem:s28+$0xD70] =	vst v27;
	v27 =	vadd.s32 v32, v54  }
0x6f: {  	[tilespmem:s28+$0xD00] =	vst v27;
	v27 =	vld [tilespmem:s28+$0x1A30]  }
0x70: {  	v58 =	vld [tilespmem:s28+$0x40]  }
0x71: {  	v59 =	vld [tilespmem:s28+$0x1A40]  }
0x72: {  	v60 =	vld [tilespmem:s28+$0x50]  }
0x73: {  	v61 =	vld [tilespmem:s28+$0x1A50]  }
0x74: {  	v62 =	vld [tilespmem:s28+$0x60];
	v27 =	vadd.s32 v57, v27  }
0x75: {  	[tilespmem:s28+$0xD30] =	vst v27;
	v27 =	vld [tilespmem:s28+$0x1A60]  }
0x76: {  	v28 =	vadd.s32 v28, v55  }
0x77: {  	[tilespmem:s28+$0xD10] =	vst v28;
	v29 =	vadd.s32 v29, v56  }
0x78: {  	v28 =	vadd.s32 v58, v59;
	[tilespmem:s28+$0xD20] =	vst v29  }
0x79: {  	v63 =	vadd.s32 v60, v61;
	[tilespmem:s28+$0xD40] =	vst v28  }
0x7a: {  	[tilespmem:s28+$0xD50] =	vst v63;
	v27 =	vadd.s32 v62, v27  }
0x7b: {  	s0 =	simm.s32 $0xD00;
	s26 =	simm.s32 $0x28C0;
	[tilespmem:s28+$0xD60] =	vst v27  }
0x7c: {  	[tilespmem:s26], [sflag:$0x1] =	stream.indirect.gather [hbm4b:s4+s17], $0x10, s0, s17, $0xb8;
	[tilespmem:$0x1E0C0] =	vst v63  }
0x7d: {  	s0 =	simm.s32 $0xD80;
	s26 =	simm.s32 $0x30C0  }
0x7e: {  	[tilespmem:s26], [sflag:$0x1] =	stream.indirect.gather [hbm4b:s4+s17], $0x10, s0, s17, $0xb8;
	[tilespmem:$0x1E0C0] =	vst v63  }
0x7f: {  	s0 =	simm.s32 $0xE00;
	s26 =	simm.s32 $0x38C0  }
0x80: {  	[tilespmem:s26], [sflag:$0x1] =	stream.indirect.gather [hbm4b:s4+s17], $0x10, s0, s17, $0xb8;
	[tilespmem:$0x1E0C0] =	vst v63  }
0x81: {  	s0 =	simm.s32 $0xE80;
	s26 =	simm.s32 $0x40C0  }
0x82: {  	[tilespmem:s26], [sflag:$0x1] =	stream.indirect.gather [hbm4b:s4+s17], $0x10, s0, s17, $0xb8;
	[tilespmem:$0x1E0C0] =	vst v63  }
0x83: {  	s0 =	simm.s32 $0xF00;
	s26 =	simm.s32 $0x48C0  }
0x84: {  	[tilespmem:s26], [sflag:$0x1] =	stream.indirect.gather [hbm4b:s4+s17], $0x10, s0, s17, $0xb8;
	[tilespmem:$0x1E0C0] =	vst v63  }
0x85: {  	s0 =	simm.s32 $0xF80;
	s26 =	simm.s32 $0x50C0  }
0x86: {  	[tilespmem:s26], [sflag:$0x1] =	stream.indirect.gather [hbm4b:s4+s17], $0x10, s0, s17, $0xb8;
	[tilespmem:$0x1E0C0] =	vst v63  }
0x87: {  	s0 =	simm.s32 $0x1000;
	s26 =	simm.s32 $0x58C0  }
0x88: {  	[tilespmem:s26], [sflag:$0x1] =	stream.indirect.gather [hbm4b:s4+s17], $0x10, s0, s17, $0xb8;
	[tilespmem:$0x1E0C0] =	vst v63  }
0x89: {  	s0 =	simm.s32 $0x1080;
	s26 =	simm.s32 $0x60C0  }
0x8a: {  	[tilespmem:s26], [sflag:$0x1] =	stream.indirect.gather [hbm4b:s4+s17], $0x10, s0, s17, $0xb8;
	[tilespmem:$0x1E0C0] =	vst v63  }
0x8b: {  	s0 =	simm.s32 $0x1100;
	s26 =	simm.s32 $0x68C0  }
0x8c: {  	[tilespmem:s26], [sflag:$0x1] =	stream.indirect.gather [hbm4b:s4+s17], $0x10, s0, s17, $0xb8;
	[tilespmem:$0x1E0C0] =	vst v63  }
0x8d: {  	s0 =	simm.s32 $0x1180;
	s26 =	simm.s32 $0x70C0  }
0x8e: {  	[tilespmem:s26], [sflag:$0x1] =	stream.indirect.gather [hbm4b:s4+s17], $0x10, s0, s17, $0xb8;
	[tilespmem:$0x1E0C0] =	vst v63  }
0x8f: {  	s0 =	simm.s32 $0x1200;
	s26 =	simm.s32 $0x78C0  }
0x90: {  	[tilespmem:s26], [sflag:$0x1] =	stream.indirect.gather [hbm4b:s4+s17], $0x10, s0, s17, $0xb8;
	[tilespmem:$0x1E0C0] =	vst v63  }
0x91: {  	s0 =	simm.s32 $0x1280;
	s26 =	simm.s32 $0x80C0  }
0x92: {  	[tilespmem:s26], [sflag:$0x1] =	stream.indirect.gather [hbm4b:s4+s17], $0x10, s0, s17, $0xb8;
	[tilespmem:$0x1E0C0] =	vst v63  }
0x93: {  	s0 =	simm.s32 $0x1300;
	s26 =	simm.s32 $0x88C0  }
0x94: {  	[tilespmem:s26], [sflag:$0x1] =	stream.indirect.gather [hbm4b:s4+s17], $0x10, s0, s17, $0xb8;
	[tilespmem:$0x1E0C0] =	vst v63  }
0x95: {  	s0 =	simm.s32 $0x1380;
	s26 =	simm.s32 $0x90C0  }
0x96: {  	[tilespmem:s26], [sflag:$0x1] =	stream.indirect.gather [hbm4b:s4+s17], $0x10, s0, s17, $0xb8;
	[tilespmem:$0x1E0C0] =	vst v63  }
0x97: {  	s0 =	simm.s32 $0x1400;
	s26 =	simm.s32 $0x98C0  }
0x98: {  	[tilespmem:s26], [sflag:$0x1] =	stream.indirect.gather [hbm4b:s4+s17], $0x10, s0, s17, $0xb8;
	[tilespmem:$0x1E0C0] =	vst v63  }
0x99: {  	s0 =	simm.s32 $0x1480;
	s26 =	simm.s32 $0xA0C0  }
0x9a: {  	[tilespmem:s26], [sflag:$0x1] =	stream.indirect.gather [hbm4b:s4+s17], $0x10, s0, s17, $0xb8;
	[tilespmem:$0x1E0C0] =	vst v63  }
0x9b: {  	s0 =	simm.s32 $0x1500;
	s26 =	simm.s32 $0xA8C0  }
0x9c: {  	[tilespmem:s26], [sflag:$0x1] =	stream.indirect.gather [hbm4b:s4+s17], $0x10, s0, s17, $0xb8;
	[tilespmem:$0x1E0C0] =	vst v63  }
0x9d: {  	s0 =	simm.s32 $0x1580;
	s26 =	simm.s32 $0xB0C0  }
0x9e: {  	[tilespmem:s26], [sflag:$0x1] =	stream.indirect.gather [hbm4b:s4+s17], $0x10, s0, s17, $0xb8;
	[tilespmem:$0x1E0C0] =	vst v63  }
0x9f: {  	s0 =	simm.s32 $0x1600;
	s26 =	simm.s32 $0xB8C0  }
0xa0: {  	[tilespmem:s26], [sflag:$0x1] =	stream.indirect.gather [hbm4b:s4+s17], $0x10, s0, s17, $0xb8;
	[tilespmem:$0x1E0C0] =	vst v63  }
0xa1: {  	_ = 	snop  }
0xa2: {  	[tilespmem:s1], [sflag:$0x1] =	stream.indirect.gather [hbm4b:s4+s17], $0x10, s6, s17, $0xb8;
	[tilespmem:$0x1E0C0] =	vst v63  }
0xa3: {  	_ = 	snop  }
0xa4: {  	[tilespmem:s14], [sflag:$0x1] =	stream.indirect.gather [hbm4b:s4+s17], $0x10, s12, s17, $0xb8;
	[tilespmem:$0x1E0C0] =	vst v63  }
0xa5: {  	_ = 	snop  }
0xa6: {  	[tilespmem:s7], [sflag:$0x1] =	stream.indirect.gather [hbm4b:s4+s17], $0x10, s15, s17, $0xb8;
	[tilespmem:$0x1E0C0] =	vst v63  }
0xa7: {  	_ = 	snop  }
0xa8: {  	[tilespmem:s11], [sflag:$0x1] =	stream.indirect.gather [hbm4b:s4+s17], $0x10, s8, s17, $0xb8;
	[tilespmem:$0x1E0C0] =	vst v63  }
0xa9: {  	_ = 	snop  }
0xaa: {  	[tilespmem:s16], [sflag:$0x1] =	stream.indirect.gather [hbm4b:s4+s17], $0x10, s2, s17, $0xb8;
	[tilespmem:$0x1E0C0] =	vst v63  }
0xab: {  	_ = 	snop  }
0xac: {  	[tilespmem:s19], [sflag:$0x1] =	stream.indirect.gather [hbm4b:s4+s17], $0x10, s18, s17, $0xb8;
	[tilespmem:$0x1E0C0] =	vst v63  }
0xad: {  	_ = 	snop  }
0xae: {  	[tilespmem:s21], [sflag:$0x1] =	stream.indirect.gather [hbm4b:s4+s17], $0x10, s20, s17, $0xb8;
	[tilespmem:$0x1E0C0] =	vst v63  }
0xaf: {  	_ =	swait.ge [sflag:s22], $0x800  }
0xb0: {  	[sflag:s22] =	ssyncset.done $0x0  }
0xb1: {  	[sflag:s22] =	ssyncadd.s32 $0xFFFFF800  }
0xb2: {  	_ =	swait.ge [sflag:s22], $0x800  }
0xb3: {  	[sflag:s22] =	ssyncset.done $0x0  }
0xb4: {  	[sflag:s22] =	ssyncadd.s32 $0xFFFFF800  }
0xb5: {  	_ =	swait.ge [sflag:s22], $0x800  }
0xb6: {  	[sflag:s22] =	ssyncset.done $0x0  }
0xb7: {  	[sflag:s22] =	ssyncadd.s32 $0xFFFFF800  }
0xb8: {  	_ =	swait.ge [sflag:s22], $0x800  }
0xb9: {  	[sflag:s22] =	ssyncset.done $0x0  }
0xba: {  	[sflag:s22] =	ssyncadd.s32 $0xFFFFF800  }
0xbb: {  	_ =	swait.ge [sflag:s22], $0x800  }
0xbc: {  	[sflag:s22] =	ssyncset.done $0x0  }
0xbd: {  	[sflag:s22] =	ssyncadd.s32 $0xFFFFF800  }
0xbe: {  	_ =	swait.ge [sflag:s22], $0x800  }
0xbf: {  	[sflag:s22] =	ssyncset.done $0x0  }
0xc0: {  	[sflag:s22] =	ssyncadd.s32 $0xFFFFF800  }
0xc1: {  	_ =	swait.ge [sflag:s22], $0x800  }
0xc2: {  	[sflag:s22] =	ssyncset.done $0x0  }
0xc3: {  	[sflag:s22] =	ssyncadd.s32 $0xFFFFF800  }
0xc4: {  	_ =	swait.ge [sflag:s22], $0x800  }
0xc5: {  	[sflag:s22] =	ssyncset.done $0x0  }
0xc6: {  	[sflag:s22] =	ssyncadd.s32 $0xFFFFF800  }
0xc7: {  	_ =	swait.ge [sflag:s22], $0x800  }
0xc8: {  	[sflag:s22] =	ssyncset.done $0x0  }
0xc9: {  	[sflag:s22] =	ssyncadd.s32 $0xFFFFF800  }
0xca: {  	_ =	swait.ge [sflag:s22], $0x800  }
0xcb: {  	[sflag:s22] =	ssyncset.done $0x0  }
0xcc: {  	[sflag:s22] =	ssyncadd.s32 $0xFFFFF800  }
0xcd: {  	_ =	swait.ge [sflag:s22], $0x800  }
0xce: {  	[sflag:s22] =	ssyncset.done $0x0  }
0xcf: {  	[sflag:s22] =	ssyncadd.s32 $0xFFFFF800  }
0xd0: {  	_ =	swait.ge [sflag:s22], $0x800  }
0xd1: {  	[sflag:s22] =	ssyncset.done $0x0  }
0xd2: {  	[sflag:s22] =	ssyncadd.s32 $0xFFFFF800  }
0xd3: {  	_ =	swait.ge [sflag:s22], $0x800  }
0xd4: {  	[sflag:s22] =	ssyncset.done $0x0  }
0xd5: {  	[sflag:s22] =	ssyncadd.s32 $0xFFFFF800  }
0xd6: {  	_ =	swait.ge [sflag:s22], $0x800  }
0xd7: {  	[sflag:s22] =	ssyncset.done $0x0  }
0xd8: {  	[sflag:s22] =	ssyncadd.s32 $0xFFFFF800  }
0xd9: {  	_ =	swait.ge [sflag:s22], $0x800  }
0xda: {  	[sflag:s22] =	ssyncset.done $0x0  }
0xdb: {  	[sflag:s22] =	ssyncadd.s32 $0xFFFFF800  }
0xdc: {  	_ =	swait.ge [sflag:s22], $0x800  }
0xdd: {  	[sflag:s22] =	ssyncset.done $0x0  }
0xde: {  	[sflag:s22] =	ssyncadd.s32 $0xFFFFF800  }
0xdf: {  	_ =	swait.ge [sflag:s22], $0x800  }
0xe0: {  	[sflag:s22] =	ssyncset.done $0x0  }
0xe1: {  	[sflag:s22] =	ssyncadd.s32 $0xFFFFF800  }
0xe2: {  	_ =	swait.ge [sflag:s22], $0x800  }
0xe3: {  	[sflag:s22] =	ssyncset.done $0x0  }
0xe4: {  	[sflag:s22] =	ssyncadd.s32 $0xFFFFF800  }
0xe5: {  	_ =	swait.ge [sflag:s22], $0x800  }
0xe6: {  	[sflag:s22] =	ssyncset.done $0x0  }
0xe7: {  	[sflag:s22] =	ssyncadd.s32 $0xFFFFF800  }
0xe8: {  	_ =	swait.ge [sflag:s22], $0x800  }
0xe9: {  	[sflag:s22] =	ssyncset.done $0x0  }
0xea: {  	[sflag:s22] =	ssyncadd.s32 $0xFFFFF800  }
0xeb: {  	_ =	swait.ge [sflag:s22], $0x800  }
0xec: {  	[sflag:s22] =	ssyncset.done $0x0  }
0xed: {  	[sflag:s22] =	ssyncadd.s32 $0xFFFFF800  }
0xee: {  	_ =	swait.ge [sflag:s22], $0x800  }
0xef: {  	[sflag:s22] =	ssyncset.done $0x0  }
0xf0: {  	[sflag:s22] =	ssyncadd.s32 $0xFFFFF800  }
0xf1: {  	_ =	swait.ge [sflag:s22], $0x800  }
0xf2: {  	[sflag:s22] =	ssyncset.done $0x0  }
0xf3: {  	[sflag:s22] =	ssyncadd.s32 $0xFFFFF800  }
0xf4: {  	_ =	swait.ge [sflag:s22], $0x800  }
0xf5: {  	[sflag:s22] =	ssyncset.done $0x0  }
0xf6: {  	[sflag:s22] =	ssyncadd.s32 $0xFFFFF800  }
0xf7: {  	_ =	swait.ge [sflag:s22], $0x800  }
0xf8: {  	[sflag:s22] =	ssyncset.done $0x0  }
0xf9: {  	[sflag:s22] =	ssyncadd.s32 $0xFFFFF800  }
0xfa: {  	_ =	swait.ge [sflag:s22], $0x800  }
0xfb: {  	[sflag:s22] =	ssyncset.done $0x0  }
0xfc: {  	s30 =	simm.s32 $0x2990;
	s28 =	simm.s32 $0x101A0;
	[sflag:s22] =	ssyncadd.s32 $0xFFFFF800  }
0xfd: {  	s31 =	simm.s32 $0x40;
	s29 =	simm.s32 $0x101A0;
	s26 =	simm.s32 $0x0;
	[tilespmem:s28+$0xFFFFFF20] =	vst v26  }
.LBB2_5:
0xfe: {  	p0 =	sne.s32 s31, $0x1FC0;
	v27 =	vld [tilespmem:s30+$0xFFFFFF30];
	_ =	sdelay $0x4  }
0xff: {  	v27 =	vadd.f32 v27, v0;
	_ =	sdelay $0x1  }
0x100: {  	[tilespmem:s28+$0xFFFFFF30] =	vst v27  }
0x101: {  	v27 =	vld [tilespmem:s30+$0xFFFFFF40];
	_ =	sdelay $0x4  }
0x102: {  	v27 =	vadd.f32 v27, v1;
	_ =	sdelay $0x1  }
0x103: {  	[tilespmem:s28+$0xFFFFFF40] =	vst v27  }
0x104: {  	v27 =	vld [tilespmem:s30+$0xFFFFFF50];
	_ =	sdelay $0x4  }
0x105: {  	v27 =	vadd.f32 v27, v2;
	_ =	sdelay $0x1  }
0x106: {  	[tilespmem:s28+$0xFFFFFF50] =	vst v27  }
0x107: {  	v27 =	vld [tilespmem:s30+$0xFFFFFF60];
	_ =	sdelay $0x4  }
0x108: {  	v27 =	vadd.f32 v27, v3;
	_ =	sdelay $0x1  }
0x109: {  	[tilespmem:s28+$0xFFFFFF60] =	vst v27  }
0x10a: {  	v27 =	vld [tilespmem:s30+$0xFFFFFF70];
	_ =	sdelay $0x4  }
0x10b: {  	v27 =	vadd.f32 v27, v4;
	_ =	sdelay $0x1  }
0x10c: {  	[tilespmem:s28+$0xFFFFFF70] =	vst v27  }
0x10d: {  	v27 =	vld [tilespmem:s30+$0xFFFFFF80];
	_ =	sdelay $0x4  }
0x10e: {  	v27 =	vadd.f32 v27, v5;
	_ =	sdelay $0x1  }
0x10f: {  	[tilespmem:s28+$0xFFFFFF80] =	vst v27  }
0x110: {  	v27 =	vld [tilespmem:s30+$0xFFFFFF90];
	_ =	sdelay $0x4  }
0x111: {  	v27 =	vadd.f32 v27, v6;
	_ =	sdelay $0x1  }
0x112: {  	[tilespmem:s28+$0xFFFFFF90] =	vst v27  }
0x113: {  	v27 =	vld [tilespmem:s30+$0xFFFFFFA0];
	_ =	sdelay $0x4  }
0x114: {  	v27 =	vadd.f32 v27, v7;
	_ =	sdelay $0x1  }
0x115: {  	[tilespmem:s28+$0xFFFFFFA0] =	vst v27  }
0x116: {  	v27 =	vld [tilespmem:s30+$0xFFFFFFB0];
	_ =	sdelay $0x4  }
0x117: {  	v27 =	vadd.f32 v27, v8;
	_ =	sdelay $0x1  }
0x118: {  	[tilespmem:s28+$0xFFFFFFB0] =	vst v27  }
0x119: {  	v27 =	vld [tilespmem:s30+$0xFFFFFFC0];
	_ =	sdelay $0x4  }
0x11a: {  	v27 =	vadd.f32 v27, v9;
	_ =	sdelay $0x1  }
0x11b: {  	[tilespmem:s28+$0xFFFFFFC0] =	vst v27  }
0x11c: {  	v27 =	vld [tilespmem:s30+$0xFFFFFFD0];
	_ =	sdelay $0x4  }
0x11d: {  	v27 =	vadd.f32 v27, v10;
	_ =	sdelay $0x1  }
0x11e: {  	[tilespmem:s28+$0xFFFFFFD0] =	vst v27  }
0x11f: {  	v27 =	vld [tilespmem:s30+$0xFFFFFFE0];
	_ =	sdelay $0x4  }
0x120: {  	v27 =	vadd.f32 v27, v11;
	_ =	sdelay $0x1  }
0x121: {  	[tilespmem:s28+$0xFFFFFFE0] =	vst v27  }
0x122: {  	v27 =	vld [tilespmem:s30+$0xFFFFFFF0];
	_ =	sdelay $0x4  }
0x123: {  	v27 =	vadd.f32 v27, v12;
	_ =	sdelay $0x1  }
0x124: {  	[tilespmem:s28+$0xFFFFFFF0] =	vst v27  }
0x125: {  	v27 =	vld [tilespmem:s30+$0x0];
	_ =	sdelay $0x4  }
0x126: {  	v27 =	vadd.f32 v27, v13;
	_ =	sdelay $0x1  }
0x127: {  	[tilespmem:s28+$0x0] =	vst v27  }
0x128: {  	v27 =	vld [tilespmem:s30+$0x10];
	_ =	sdelay $0x4  }
0x129: {  	v27 =	vadd.f32 v27, v14;
	_ =	sdelay $0x1  }
0x12a: {  	[tilespmem:s28+$0x10] =	vst v27  }
0x12b: {  	v27 =	vld [tilespmem:s30+$0x20];
	_ =	sdelay $0x4  }
0x12c: {  	v27 =	vadd.f32 v27, v15;
	_ =	sdelay $0x1  }
0x12d: {  	[tilespmem:s28+$0x20] =	vst v27  }
0x12e: {  	v27 =	vld [tilespmem:s30+$0x30];
	_ =	sdelay $0x4  }
0x12f: {  	v27 =	vadd.f32 v27, v16;
	_ =	sdelay $0x1  }
0x130: {  	[tilespmem:s28+$0x30] =	vst v27  }
0x131: {  	v27 =	vld [tilespmem:s30+$0x40];
	_ =	sdelay $0x4  }
0x132: {  	v27 =	vadd.f32 v27, v17;
	_ =	sdelay $0x1  }
0x133: {  	[tilespmem:s28+$0x40] =	vst v27  }
0x134: {  	v27 =	vld [tilespmem:s30+$0x50];
	_ =	sdelay $0x4  }
0x135: {  	v27 =	vadd.f32 v27, v18;
	_ =	sdelay $0x1  }
0x136: {  	[tilespmem:s28+$0x50] =	vst v27  }
0x137: {  	v27 =	vld [tilespmem:s30+$0x60];
	_ =	sdelay $0x4  }
0x138: {  	v27 =	vadd.f32 v27, v19;
	_ =	sdelay $0x1  }
0x139: {  	[tilespmem:s28+$0x60] =	vst v27  }
0x13a: {  	v27 =	vld [tilespmem:s30+$0x70];
	_ =	sdelay $0x4  }
0x13b: {  	v27 =	vadd.f32 v27, v20;
	_ =	sdelay $0x1  }
0x13c: {  	[tilespmem:s28+$0x70] =	vst v27  }
0x13d: {  	v27 =	vld [tilespmem:s30+$0x80];
	_ =	sdelay $0x4  }
0x13e: {  	v27 =	vadd.f32 v27, v21;
	_ =	sdelay $0x1  }
0x13f: {  	[tilespmem:s28+$0x80] =	vst v27  }
0x140: {  	v27 =	vld [tilespmem:s30+$0x90];
	_ =	sdelay $0x4  }
0x141: {  	v27 =	vadd.f32 v27, v22;
	_ =	sdelay $0x1  }
0x142: {  	[tilespmem:s28+$0x90] =	vst v27  }
0x143: {  	v27 =	vld [tilespmem:s30+$0xA0];
	_ =	sdelay $0x4  }
0x144: {  	v27 =	vadd.f32 v27, v23;
	_ =	sdelay $0x1  }
0x145: {  	[tilespmem:s28+$0xA0] =	vst v27  }
0x146: {  	v27 =	vld [tilespmem:s30+$0xB0];
	_ =	sdelay $0x4  }
0x147: {  	v27 =	vadd.f32 v27, v24;
	_ =	sdelay $0x1  }
0x148: {  	[tilespmem:s28+$0xB0] =	vst v27  }
0x149: {  	v27 =	vld [tilespmem:s30+$0xC0];
	_ =	sdelay $0x4  }
0x14a: {  	v27 =	vadd.f32 v27, v25;
	_ =	sdelay $0x1  }
0x14b: {  	s0 =	sshra.s32 s26, $0x2;
	s26 =	smov.u32 s31;
	[tilespmem:s28+$0xC0] =	vst v27  }
0x14c: {  	v27 =	vld [tilespmem:s0+$0xF8C0]  }
.Ltmp1:
0x14d: {  	(pc) =	sbr.rel @p0 .LBB2_5-.Ltmp1, $4  }
0x14e: {  	_ = 	snop  }
0x14f: {  	s28 =	sadd.s32 $0x1C0, s28  }
0x150: {  	[tilespmem:s28+$0xFFFFFF20] =	vst v26  }
0x151: {  	s31 =	sadd.s32 $0x40, s31;
	s30 =	sadd.s32 $0x1A0, s30;
	[tilespmem:s29+$0xD0] =	vst v27;
	s29 =	smov.u32 s28  }
0x152: {  	v27 =	vld [tilespmem:s30+$0xFFFFFF30];
	_ =	sdelay $0x4  }
0x153: {  	v27 =	vadd.f32 v27, v0;
	_ =	sdelay $0x1  }
0x154: {  	[tilespmem:s28+$0xFFFFFF30] =	vst v27  }
0x155: {  	v27 =	vld [tilespmem:s30+$0xFFFFFF40];
	_ =	sdelay $0x4  }
0x156: {  	v27 =	vadd.f32 v27, v1;
	_ =	sdelay $0x1  }
0x157: {  	[tilespmem:s28+$0xFFFFFF40] =	vst v27  }
0x158: {  	v27 =	vld [tilespmem:s30+$0xFFFFFF50];
	_ =	sdelay $0x4  }
0x159: {  	v27 =	vadd.f32 v27, v2;
	_ =	sdelay $0x1  }
0x15a: {  	[tilespmem:s28+$0xFFFFFF50] =	vst v27  }
0x15b: {  	v27 =	vld [tilespmem:s30+$0xFFFFFF60];
	_ =	sdelay $0x4  }
0x15c: {  	v27 =	vadd.f32 v27, v3;
	_ =	sdelay $0x1  }
0x15d: {  	[tilespmem:s28+$0xFFFFFF60] =	vst v27  }
0x15e: {  	v27 =	vld [tilespmem:s30+$0xFFFFFF70];
	_ =	sdelay $0x4  }
0x15f: {  	v27 =	vadd.f32 v27, v4;
	_ =	sdelay $0x1  }
0x160: {  	[tilespmem:s28+$0xFFFFFF70] =	vst v27  }
0x161: {  	v27 =	vld [tilespmem:s30+$0xFFFFFF80];
	_ =	sdelay $0x4  }
0x162: {  	v27 =	vadd.f32 v27, v5;
	_ =	sdelay $0x1  }
0x163: {  	[tilespmem:s28+$0xFFFFFF80] =	vst v27  }
0x164: {  	v27 =	vld [tilespmem:s30+$0xFFFFFF90];
	_ =	sdelay $0x4  }
0x165: {  	v27 =	vadd.f32 v27, v6;
	_ =	sdelay $0x1  }
0x166: {  	[tilespmem:s28+$0xFFFFFF90] =	vst v27  }
0x167: {  	v27 =	vld [tilespmem:s30+$0xFFFFFFA0];
	_ =	sdelay $0x4  }
0x168: {  	v27 =	vadd.f32 v27, v7;
	_ =	sdelay $0x1  }
0x169: {  	[tilespmem:s28+$0xFFFFFFA0] =	vst v27  }
0x16a: {  	v27 =	vld [tilespmem:s30+$0xFFFFFFB0];
	_ =	sdelay $0x4  }
0x16b: {  	v27 =	vadd.f32 v27, v8;
	_ =	sdelay $0x1  }
0x16c: {  	[tilespmem:s28+$0xFFFFFFB0] =	vst v27  }
0x16d: {  	v27 =	vld [tilespmem:s30+$0xFFFFFFC0];
	_ =	sdelay $0x4  }
0x16e: {  	v27 =	vadd.f32 v27, v9;
	_ =	sdelay $0x1  }
0x16f: {  	[tilespmem:s28+$0xFFFFFFC0] =	vst v27  }
0x170: {  	v27 =	vld [tilespmem:s30+$0xFFFFFFD0];
	_ =	sdelay $0x4  }
0x171: {  	v27 =	vadd.f32 v27, v10;
	_ =	sdelay $0x1  }
0x172: {  	[tilespmem:s28+$0xFFFFFFD0] =	vst v27  }
0x173: {  	v27 =	vld [tilespmem:s30+$0xFFFFFFE0];
	_ =	sdelay $0x4  }
0x174: {  	v27 =	vadd.f32 v27, v11;
	_ =	sdelay $0x1  }
0x175: {  	[tilespmem:s28+$0xFFFFFFE0] =	vst v27  }
0x176: {  	v27 =	vld [tilespmem:s30+$0xFFFFFFF0];
	_ =	sdelay $0x4  }
0x177: {  	v27 =	vadd.f32 v27, v12;
	_ =	sdelay $0x1  }
0x178: {  	[tilespmem:s28+$0xFFFFFFF0] =	vst v27  }
0x179: {  	v27 =	vld [tilespmem:s30+$0x0];
	_ =	sdelay $0x4  }
0x17a: {  	v27 =	vadd.f32 v27, v13;
	_ =	sdelay $0x1  }
0x17b: {  	[tilespmem:s28+$0x0] =	vst v27  }
0x17c: {  	v27 =	vld [tilespmem:s30+$0x10];
	_ =	sdelay $0x4  }
0x17d: {  	v27 =	vadd.f32 v27, v14;
	_ =	sdelay $0x1  }
0x17e: {  	[tilespmem:s28+$0x10] =	vst v27  }
0x17f: {  	v27 =	vld [tilespmem:s30+$0x20];
	_ =	sdelay $0x4  }
0x180: {  	v27 =	vadd.f32 v27, v15;
	_ =	sdelay $0x1  }
0x181: {  	[tilespmem:s28+$0x20] =	vst v27  }
0x182: {  	v27 =	vld [tilespmem:s30+$0x30];
	_ =	sdelay $0x4  }
0x183: {  	v27 =	vadd.f32 v27, v16;
	_ =	sdelay $0x1  }
0x184: {  	[tilespmem:s28+$0x30] =	vst v27  }
0x185: {  	v27 =	vld [tilespmem:s30+$0x40];
	_ =	sdelay $0x4  }
0x186: {  	v27 =	vadd.f32 v27, v17;
	_ =	sdelay $0x1  }
0x187: {  	[tilespmem:s28+$0x40] =	vst v27  }
0x188: {  	v27 =	vld [tilespmem:s30+$0x50];
	_ =	sdelay $0x4  }
0x189: {  	v27 =	vadd.f32 v27, v18;
	_ =	sdelay $0x1  }
0x18a: {  	[tilespmem:s28+$0x50] =	vst v27  }
0x18b: {  	v27 =	vld [tilespmem:s30+$0x60];
	_ =	sdelay $0x4  }
0x18c: {  	v27 =	vadd.f32 v27, v19;
	_ =	sdelay $0x1  }
0x18d: {  	[tilespmem:s28+$0x60] =	vst v27  }
0x18e: {  	v27 =	vld [tilespmem:s30+$0x70];
	_ =	sdelay $0x4  }
0x18f: {  	v27 =	vadd.f32 v27, v20;
	_ =	sdelay $0x1  }
0x190: {  	[tilespmem:s28+$0x70] =	vst v27  }
0x191: {  	v27 =	vld [tilespmem:s30+$0x80];
	_ =	sdelay $0x4  }
0x192: {  	v27 =	vadd.f32 v27, v21;
	_ =	sdelay $0x1  }
0x193: {  	[tilespmem:s28+$0x80] =	vst v27  }
0x194: {  	v27 =	vld [tilespmem:s30+$0x90];
	_ =	sdelay $0x4  }
0x195: {  	v27 =	vadd.f32 v27, v22;
	_ =	sdelay $0x1  }
0x196: {  	[tilespmem:s28+$0x90] =	vst v27  }
0x197: {  	v27 =	vld [tilespmem:s30+$0xA0];
	_ =	sdelay $0x4  }
0x198: {  	v27 =	vadd.f32 v27, v23;
	_ =	sdelay $0x1  }
0x199: {  	[tilespmem:s28+$0xA0] =	vst v27  }
0x19a: {  	v27 =	vld [tilespmem:s30+$0xB0];
	_ =	sdelay $0x4  }
0x19b: {  	v27 =	vadd.f32 v27, v24;
	_ =	sdelay $0x1  }
0x19c: {  	[tilespmem:s28+$0xB0] =	vst v27  }
0x19d: {  	v27 =	vld [tilespmem:s30+$0xC0];
	_ =	sdelay $0x4  }
0x19e: {  	v27 =	vadd.f32 v27, v25;
	_ =	sdelay $0x1  }
0x19f: {  	s0 =	sshra.s32 s26, $0x2;
	[tilespmem:s28+$0xC0] =	vst v27  }
0x1a0: {  	v27 =	vld [tilespmem:s0+$0xF8C0];
	_ =	sdelay $0x2  }
0x1a1: {  	s24 =	sadd.s32 $0x1, s24;
	s30 =	smul.u32 $0x38, s25  }
0x1a2: {  	s31 =	rddreg [dreg:$0x2];
	p0 =	sne.s32 s24, $0x4  }
.Ltmp2:
0x1a3: {  	s0 =	sadd.s32 s31, s30;
	[tilespmem:s29+$0xD0] =	vst v27;
	(pc) =	sbr.rel @p0 .LBB2_2-.Ltmp2, $4  }
0x1a4: {  	[hbm4b:s0+s3] =	stream.linear.scatter [tilespmem:s23], [sflag:$0x2], $0xE000, $0x38;
	[tilespmem:$0x1E0C0] =	vst v63  }
0x1a5: {  	_ =	swait.ge [sflag:s13], $0xE000  }
0x1a6: {  	[sflag:s13] =	ssyncset.done $0x0  }
0x1a7: {  	[sflag:s13] =	ssyncadd.s32 $0xFFFF2000  }
0x1a8: {  	s24 =	rddreg [dreg:$0x7]  }
0x1a9: {  	s0 =	rddreg [dreg:$0x6];
	s24 =	sadd.s32 $0x1, s24  }
0x1aa: {  	p0 =	sne.s32 s24, s0  }
.Ltmp3:
0x1ab: {  	_ = 	snop;
	(pc) =	sbr.rel @p0 .LBB2_1-.Ltmp3, $1  }
0x1ac: {  	_ =	sdelay $0x3  }
0x1ad: {  	_ =	sfence.sel $0x180000  }
0x1ae: {  	[bflag:$0x0] =	sbarrier.arrive $0xFFFF  }
0x1af: {  	_ =	strace $0x9000004A  }
0x1b0: {  	s0 =	stileid.u32;
	[bflag:$0x2] =	sbarrier.arrive $0xFFFF  }
0x1b1: {  	p0 =	sne.s32 s0, $0x0;
	s0 =	rddreg [dreg:$0x3]  }
0x1b2: {  	s0 =	sadd.s32 @!p0 $0x100000, s0  }
0x1b3: {  	[sflag:s0] =	ssyncadd.tile.s32 @!p0 $0x1;
	_ =	shalt  }
.Lfunc_end2:
_tile_overlayer_lowered:
.L_overlay_start_2:
0x1b4: {  	(tag) =	ssettag $0x2  }
0x1b5: {  	s0 =	rddreg [dreg:$0x0];
	s2 =	stileid.u32  }
0x1b6: {  	s1 =	rddreg [dreg:$0x1];
	p0 =	sne.s32 s2, $0x0  }
0x1b7: {  	s3 =	rddreg [dreg:$0x2];
	[bflag:$0x3] =	sbarrier.arrive $0xFFFF;
	s2 =	simm.s32 @!p0 $0x1C02  }
0x1b8: {  	[timem:s3], [sflag:s2] =	dma.local @!p0 [hbm:s0], s1  }
0x1b9: {  	s0 =	simm.s32 @!p0 $0x2  }
0x1ba: {  	_ =	swait.ge @!p0 [sflag:s0], s1  }
0x1bb: {  	s1 =	ssub.s32 @!p0 $0x0, s1;
	[sflag:s0] =	ssyncset.done @!p0 $0x0  }
0x1bc: {  	[sflag:s0] =	ssyncadd.s32 @!p0 s1  }
0x1bd: {  	[bflag:$0x3] =	sbarrier.arrive $0xFFFF  }
0x1be: {  	_ =	shalt  }

// kernel: sparse-core-data-format-call.cloned.1.call-start
scs
called_computation_lowered:
.L_overlay_start_0:
0x0: {  	s1 =	sld [smem:$0x3FD9]  }
0x1: {  	s2 =	sld [smem:$0x3FFE];
	_ =	sdelay $0x1  }
0x2: {  	s3 =	srdreg.scid  }
0x3: {  	s0 =	sand.u32 $0x1, s3  }
0x4: {  	s17 =	sshll.u32 s0, $0xA;
	s1 =	sadd.s32 s2, s1  }
0x5: {  	s1 =	sadd.s32 s1, s17  }
0x6: {  	[smem:$0x3FC1] =	sst s1  }
0x7: {  	_ = 	snop  }
0x8: {  	(tm) =	ssettm $0x1  }
0x9: {  	s18 =	sld [smem:$0x3FFB];
	_ =	sdelay $0x3  }
0xa: {  	_ =	strace s18  }
0xb: {  	s1 =	sld [smem:$0x3FFC];
	_ =	sdelay $0x3  }
0xc: {  	_ =	strace s1  }
0xd: {  	s1 =	sld [smem:$0x3FFD];
	_ =	sdelay $0x3  }
0xe: {  	_ =	strace s1  }
0xf: {  	_ =	strace $0x8FFFFFFF  }
0x10: {  	s19 =	sld [smem:$0x3FDB];
	_ =	sdelay $0x1  }
0x11: {  	s20 =	simm.s32 $_scs_section_size  }
0x12: {  	s4 =	simm.s32 $_size__tile_overlayer_lowered;
	s5 =	simm.s32 $_tile_overlayer_lowered  }
0x13: {  	s23 =	simm.s32 $0x1BFF;
	s22 =	sshll.u32 s5, $0x1;
	s1 =	sadd.s32 s20, s19  }
0x14: {  	s6 =	simm.s32 $0x0;
	s21 =	sshll.u32 s4, $0x1;
	s4 =	sadd.s32 s22, s1  }
0x15: {  	[timem:s6], [sflag:s23] =	dma.local [hbm:s4], s21  }
0x16: {  	_ =	swait.ge [sflag:s23], s21  }
0x17: {  	s2 =	ssub.s32 $0x0, s21;
	[sflag:s23] =	ssyncset.done $0x0  }
0x18: {  	[sflag:s23] =	ssyncadd.s32 s2;
	_ =	sdelay $0x1  }
0x19: {  	s24 =	simm.s32 $0x1B8B  }
0x1a: {  	_ =	swait.ge [sflag:s24], $0x1  }
0x1b: {  	[sflag:s24] =	ssyncset.done $0x0  }
0x1c: {  	s26 =	simm.s32 $0x1B8E;
	s25 =	sld [smem:$0x3FFE];
	[sflag:s24] =	ssyncadd.s32 $0xFFFFFFFF  }
0x1d: {  	s27 =	simm.s32 $execute0_lowered;
	[smem:$0x3FD2] =	sst s26  }
0x1e: {  	s4 =	sshll.u32 s27, $0x1;
	_ =	strace $0x80000046;
	[dreg:$0x1] =	wrdreg $0xFFFFFFFF  }
0x1f: {  	s28 =	simm.s32 $_size_execute0_lowered;
	s1 =	sadd.s32 s1, s4;
	[dreg:$0x0] =	wrdreg $0x0  }
0x20: {  	s4 =	sshll.u32 s28, $0x1;
	[dreg:$0x2] =	wrdreg s1  }
0x21: {  	[dreg:$0x3] =	wrdreg s4  }
0x22: {  	[dreg:$0x4] =	wrdreg $0xC0  }
0x23: {  	_ =	task [dreg:s6], $0x5FFFF  }
0x24: {  	[dreg:$0x1] =	wrdreg $0xFFFFFFFF  }
0x25: {  	[dreg:$0x0] =	wrdreg $0x60  }
0x26: {  	[dreg:$0x2] =	wrdreg s25  }
0x27: {  	[dreg:$0x3] =	wrdreg $0x9  }
0x28: {  	_ =	task.clear_ibuf [dreg:s6], $0x4FFFF;
	_ =	strace $0x90000046  }
0x29: {  	s29 =	simm.s32 $0x9;
	_ =	strace $0x80000048  }
0x2a: {  	_ =	swait.ge [sflag:s29], $0x1  }
0x2b: {  	[sflag:s29] =	ssyncadd.s32 $0xFFFFFFFF  }
0x2c: {  	_ =	strace $0x90000048  }
0x2d: {  	_ =	sfence  }
0x2e: {  	s30 =	sld [smem:$0x0];
	_ =	sdelay $0x2  }
0x2f: {  	s31 =	sshll.u32 s3, $0xD;
	s3 =	sshrl.u32 s3, $0x2  }
0x30: {  	s2 =	sand.u32 $0x4000, s31;
	s1 =	sadd.s32 s3, s30  }
0x31: {  	s0 =	sor.u32 s2, s0;
	s1 =	sshll.u32 s1, $0x11  }
0x32: {  	s0 =	sor.u32 s1, s0  }
0x33: {  	s0 =	sadd.s32 $0x8F2B, s0  }
0x34: {  	[sflag:s0] =	ssyncadd.remote.s32 $0x1  }
0x35: {  	_ =	sfence.sel $0xFFFF  }
0x36: {  	[dreg:$0x0] =	wrdreg $0xFFFFFFFF;
	(pc) =	sbr.abs _section_cstart, $3  }
0x37: {  	[dreg:$0x1] =	wrdreg $0xFFFFFFFF  }
0x38: {  	_ =	task.clear_ibuf [dreg:s6], $0x2FFFF;
	_ =	strace $0x9FFFFFFF  }
0x39: {  	(tm) =	ssettm $0x7FFFFFFF  }
tec
execute0_lowered:
.L_overlay_start_1:
0x0: {  	(tag) =	ssettag $0x1  }
0x1: {  	s0 =	srdreg.scid  }
0x2: {  	s5 =	rddreg [dreg:$0x0];
	s1 =	stileid.u32;
	s4 =	simm.s32 $0x1  }
0x3: {  	s6 =	simm.s32 $0x2;
	s15 =	simm.s32 $0x0;
	p0 =	por $0x0, $0x0  }
0x4: {  	s8 =	simm.s32 $0x80;
	s14 =	simm.s32 $0x0;
	s2 =	sshll.u32 s0, $0x4  }
0x5: {  	s9 =	simm.s32 $0x0;
	s10 =	simm.s32 $0x0;
	s2 =	sand.u32 $0x10, s2  }
.Ltmp0:
0x6: {  	s12 =	simm.s32 $0x0;
	s3 =	sor.u32 s1, s2;
	(pc) =	sbr.rel .LBB1_1-.Ltmp0, $4  }
0x7: {  	s0 =	rddreg [dreg:$0x1];
	_ =	strace $0x80000047;
	s3 =	sshll.u32 s3, $0x7  }
0x8: {  	s13 =	simm.s32 $0x0;
	[sflag:s4] =	ssyncpa.u1 $0x0;
	s7 =	ssub.s32 $0x27AC00, s3  }
0x9: {  	s2 =	sadd.s32 $0x4F7800, s5;
	[sflag:s6] =	ssyncpa.u1 $0x0;
	s6 =	sshrl.u32 s7, $0xC  }
0xa: {  	s5 =	sadd.s32 $0x9ED200, s5;
	s11 =	smov.u32 s3;
	s7 =	sadd.s32 $0x2, s6  }
.LBB1_5:
0xb: {  	p1 =	slt.u32 s13, $0x2  }
0xc: {  	s17 =	smov.u32 s15;
	p2 =	sgt.s32 @!p1 s15, $0x27ABE0;
	s16 =	sshra.s32 @!p1 s15, $0x1F  }
0xd: {  	p3 =	sgt.s32 @!p1 s14, $0x70;
	s18 =	sshra.s32 @!p1 s14, $0x1F;
	p2 =	por !p2, p1  }
0xe: {  	s15 =	sand.u32 @!p1 s16, s15;
	p3 =	por !p3, p1;
	s16 =	smov.u32 s14  }
0xf: {  	s14 =	sand.u32 @!p1 s18, s14;
	s17 =	simm.s32 @p2 $0x27ABE0;
	s16 =	simm.s32 @p3 $0x70  }
0x10: {  	s15 =	ssub.s32 @!p1 s17, s15;
	s14 =	ssub.s32 @!p1 s16, s14  }
0x11: {  	s18 =	smov.u32 s12;
	s16 =	sadd.s32 @!p1 $0xFFD85420, s15;
	s17 =	sadd.s32 @!p1 $0xFFFFFF90, s14  }
0x12: {  	s15 =	ssub.s32 @!p1 $0x27AC60, s15;
	p2 =	sgt.s32 @!p1 s16, $0x7F;
	p3 =	sgt.s32 @!p1 s17, $0xF  }
0x13: {  	s14 =	ssub.s32 @!p1 $0x80, s14;
	p2 =	por !p2, p1;
	p3 =	por !p3, p1  }
0x14: {  	s16 =	sadd.s32 $0x1000, s11;
	s15 =	simm.s32 @!p2 $0x0;
	s14 =	simm.s32 @!p3 $0x0  }
0x15: {  	p2 =	sgt.s32 s16, $0x27AC59;
	s14 =	smul.u32 @!p1 s14, s15;
	s15 =	sadd.s32 $0x10, s12  }
0x16: {  	s18 =	smov.u32 @p2 s15  }
0x17: {  	s16 =	smov.u32 @p2 s3;
	p2 =	sgt.s32 s18, $0xF  }
0x18: {  	s18 =	simm.s32 @p2 $0x0;
	p2 =	sne.s32 s13, s7  }
.Ltmp1:
0x19: {  	p0 =	por !p0, !p0;
	s17 =	simm.s32 @!p1 $0x2;
	(pc) =	sbr.rel @!p2 .LBB1_6-.Ltmp1, $4  }
0x1a: {  	s15 =	smov.u32 s9;
	s9 =	smov.u32 s11;
	s14 =	sand.u32 @!p1 $0x3FFFFFFF, s14  }
0x1b: {  	s11 =	smov.u32 s16;
	_ =	swait.ge @!p1 [sflag:s17], s14;
	s19 =	ssub.s32 @!p1 $0x0, s14  }
0x1c: {  	s14 =	smov.u32 s10;
	s13 =	sadd.s32 $0x1, s13;
	[sflag:s17] =	ssyncset.done @!p1 $0x0  }
0x1d: {  	s10 =	smov.u32 s12;
	s12 =	smov.u32 s18;
	[sflag:s17] =	ssyncadd.s32 @!p1 s19  }
.LBB1_1:
0x1e: {  	p1 =	sgt.u32 s13, s6  }
0x1f: {  	s16 =	sshrl.u32 @!p1 s12, $0x3  }
0x20: {  	s17 =	sshll.u32 @!p1 s11, $0x3;
	s16 =	smul.u32 @!p1 $0x13D6400, s16  }
0x21: {  	s18 =	sshll.u32 @!p1 s12, $0x7;
	s17 =	sand.u32 @!p1 $0xFFFFFC00, s17  }
0x22: {  	s16 =	sadd.s32 @!p1 s16, s17;
	s17 =	sand.u32 @!p1 $0x380, s18  }
0x23: {  	s18 =	sand.u32 @!p1 $0x7F, s11;
	s16 =	sor.u32 @!p1 s17, s16  }
0x24: {  	s17 =	sor.u32 @!p1 s18, s16  }
0x25: {  	s18 =	smulhi.u32 @!p1 $0xCE7BD5B5, s17;
	_ =	sdelay $0x1  }
0x26: {  	s16 =	smulhi.u32 @!p1 $0xCE7BD5B5, s16;
	s18 =	sshrl.u32 @!p1 s18, $0x15  }
0x27: {  	s18 =	smul.u32 @!p1 $0x27AC80, s18  }
0x28: {  	s19 =	sxor.u32 @!p1 $0xFFFFFFFF, s13;
	s16 =	sshrl.u32 @!p1 s16, $0x15  }
0x29: {  	s19 =	sshll.u32 @!p1 s19, $0xB;
	s16 =	sand.u32 @!p1 $0xF, s16;
	s17 =	ssub.s32 @!p1 s17, s18  }
0x2a: {  	s16 =	smul.u32 @!p1 $0x4F590, s16;
	s18 =	sshrl.u32 @!p1 s17, $0x3;
	s17 =	sand.u32 @!p1 $0x7, s17  }
0x2b: {  	s19 =	sand.u32 @!p1 $0x800, s19;
	s18 =	sadd.s32 @!p1 s2, s18;
	s17 =	sshll.u32 @!p1 s17, $0x12  }
0x2c: {  	s16 =	sadd.s32 @!p1 s16, s18;
	s17 =	sor.u32 @!p1 $0x400, s17;
	s18 =	simm.s32 @!p1 $0x13D6400  }
0x2d: {  	[tilespmem:s19], [sflag:$0x1] =	stream.strided.gather @!p1 [hbm4b:s16+s17], $0x800, s18, s17, $0x38;
	[tilespmem:$0x2100] =	vst v63  }
0x2e: {  	p1 =	seq.s32 s13, $0x0  }
0x2f: {  	p2 =	sge.u32 @!p1 s13, s7  }
0x30: {  	p1 =	por p1, p2  }
.Ltmp2:
0x31: {  	_ = 	snop;
	(pc) =	sbr.rel @p1 .LBB1_5-.Ltmp2, $1  }
0x32: {  	_ =	sdelay $0x3  }
0x33: {  	s16 =	simm.s32 $0x1  }
0x34: {  	_ =	swait.ge [sflag:s4], $0x800;
	s16 =	simm.s32 @!p0 $0x0  }
0x35: {  	[sflag:s4] =	ssyncset.done $0x0;
	s17 =	sshll.u32 s16, $0xB  }
0x36: {  	[sflag:s4] =	ssyncadd.s32 $0xFFFFF800;
	s18 =	sor.u32 $0x40, s17  }
0x37: {  	s16 =	smul.u32 $0x2200, s16;
	v0 =	vld [tilespmem:s18+$0x30]  }
0x38: {  	v1 =	vld [tilespmem:s18+$0xFFFFFFD0]  }
0x39: {  	s16 =	sshrl.u32 s16, $0x2;
	v5 =	vld [tilespmem:s18+$0xFFFFFFE0]  }
0x3a: {  	v6 =	vld [tilespmem:s18+$0xFFFFFFF0];
	s19 =	sor.u32 $0x1000, s16  }
0x3b: {  	s31 =	sand.u32 $0x1, s13;
	v4 =	vld [tilespmem:s18+$0x0];
	s17 =	sadd.s32 $0x0, s19  }
0x3c: {  	v3 =	vld [tilespmem:s18+$0x10];
	s16 =	smul.u32 $0x2200, s31;
	[tilespmem:s17+$0x770 ss:$0x11] =	vst.msk $0xffff, v0  }
0x3d: {  	v2 =	vld [tilespmem:s18+$0x20];
	[tilespmem:s17+$0x110 ss:$0x11] =	vst.msk $0xffff, v1  }
0x3e: {  	s16 =	sshrl.u32 s16, $0x2;
	v1 =	vld [tilespmem:s18+$0xFFFFFFC0];
	[tilespmem:s17+$0x220 ss:$0x11] =	vst.msk $0xffff, v5;
	s18 =	sadd.s32 $0x80, s18  }
0x3f: {  	s20 =	simm.s32 $0x4;
	s21 =	simm.s32 $0x8;
	s16 =	sor.u32 $0x1000, s16;
	[tilespmem:s17+$0x330 ss:$0x11] =	vst.msk $0xffff, v6;
	v0 =	vld [tilespmem:s18+$0x30]  }
.LBB1_3:
0x40: {  	p1 =	sne.s32 s21, $0x3C;
	v5 =	vld [tilespmem:s18+$0xFFFFFFD0];
	[tilespmem:s17+$0x440 ss:$0x11] =	vst.msk $0xffff, v4  }
0x41: {  	v6 =	vld [tilespmem:s18+$0xFFFFFFE0];
	[tilespmem:s17+$0x550 ss:$0x11] =	vst.msk $0xffff, v3  }
0x42: {  	s22 =	sshra.s32 s20, $0x2;
	s20 =	smov.u32 s21;
	v7 =	vld [tilespmem:s18+$0xFFFFFFF0];
	[tilespmem:s17+$0x660 ss:$0x11] =	vst.msk $0xffff, v2  }
.Ltmp3:
0x43: {  	v4 =	vld [tilespmem:s18+$0x0];
	[tilespmem:s17+$0x0 ss:$0x11] =	vst.msk $0xffff, v1;
	s17 =	sadd.s32 s22, s19;
	(pc) =	sbr.rel @p1 .LBB1_3-.Ltmp3, $4  }
0x44: {  	v3 =	vld [tilespmem:s18+$0x10];
	[tilespmem:s17+$0x770 ss:$0x11] =	vst.msk $0xffff, v0  }
0x45: {  	[tilespmem:s17+$0x110 ss:$0x11] =	vst.msk $0xffff, v5;
	v2 =	vld [tilespmem:s18+$0x20]  }
0x46: {  	v1 =	vld [tilespmem:s18+$0xFFFFFFC0];
	[tilespmem:s17+$0x220 ss:$0x11] =	vst.msk $0xffff, v6;
	s18 =	sadd.s32 $0x80, s18  }
0x47: {  	s21 =	sadd.s32 $0x4, s21;
	v0 =	vld [tilespmem:s18+$0x30];
	[tilespmem:s17+$0x330 ss:$0x11] =	vst.msk $0xffff, v7  }
0x48: {  	s21 =	sshll.u32 s9, $0x7;
	s22 =	sshll.u32 s10, $0x3;
	s20 =	sshra.s32 s20, $0x2  }
0x49: {  	p1 =	sgt.s32 s9, $0x27ABE0;
	s23 =	sand.u32 $0xFFFFFC00, s21;
	s22 =	sand.u32 $0xFFFFFC00, s22  }
0x4a: {  	v5 =	vld [tilespmem:s18+$0xFFFFFFD0];
	s30 =	sshra.s32 s9, $0x1F;
	s21 =	sand.u32 $0x380, s21;
	s22 =	sadd.s32 s22, s23  }
0x4b: {  	v6 =	vld [tilespmem:s18+$0xFFFFFFE0];
	[tilespmem:s17+$0x440 ss:$0x11] =	vst.msk $0xffff, v4;
	s25 =	sshra.s32 s10, $0x1F;
	s19 =	sadd.s32 s20, s19;
	s29 =	sor.u32 s21, s22  }
0x4c: {  	v60 =	vld [tilespmem:s18+$0xFFFFFFF0];
	[tilespmem:s17+$0x550 ss:$0x11] =	vst.msk $0xffff, v3;
	s21 =	smov.u32 s9;
	s22 =	sand.u32 s30, s9;
	s30 =	sand.u32 $0x7, s10  }
0x4d: {  	v61 =	vld [tilespmem:s18+$0x0];
	[tilespmem:s17+$0x660 ss:$0x11] =	vst.msk $0xffff, v2;
	s20 =	sshrl.u32 s29, $0x7;
	s21 =	simm.s32 @!p1 $0x27ABE0;
	p1 =	sgt.s32 s10, $0x70  }
0x4e: {  	v62 =	vld [tilespmem:s18+$0x10];
	[tilespmem:s17+$0x0 ss:$0x11] =	vst.msk $0xffff, v1;
	s29 =	sshrl.u32 s10, $0x3;
	s24 =	ssub.s32 s21, s22;
	s21 =	smov.u32 s10  }
0x4f: {  	v63 =	vld [tilespmem:s18+$0x20];
	[tilespmem:s19+$0x770 ss:$0x11] =	vst.msk $0xffff, v0;
	s31 =	smulhi.u32 $0x19CF8F9, s20;
	s22 =	sand.u32 s25, s10;
	s21 =	simm.s32 @!p1 $0x70  }
0x50: {  	[tilespmem:s19+$0x110 ss:$0x11] =	vst.msk $0xffff, v5;
	s27 =	sadd.s32 $0xFFD85420, s24;
	s17 =	ssub.s32 $0x27AC60, s24;
	s21 =	ssub.s32 s21, s22  }
0x51: {  	v7 =	vld [tilespmem:s18+$0xFFFFFFC0];
	[tilespmem:s19+$0x220 ss:$0x11] =	vst.msk $0xffff, v6;
	s26 =	sshrl.u32 s31, $0xE;
	p1 =	sgt.s32 s27, $0x7F;
	s28 =	sadd.s32 $0xFFFFFF90, s21  }
0x52: {  	[tilespmem:s19+$0x330 ss:$0x11] =	vst.msk $0xffff, v60;
	s18 =	smul.u32 $0x27AC60, s26;
	s21 =	ssub.s32 $0x80, s21;
	p2 =	sgt.s32 s28, $0xF  }
.Ltmp4:
0x53: {  	[tilespmem:s19+$0x440 ss:$0x11] =	vst.msk $0xffff, v61;
	s17 =	simm.s32 @p1 $0x0;
	s21 =	simm.s32 @p2 $0x0;
	(pc) =	sbr.rel .LBB1_5-.Ltmp4, $4  }
0x54: {  	[tilespmem:s19+$0x550 ss:$0x11] =	vst.msk $0xffff, v62;
	s18 =	ssub.s32 s20, s18;
	s20 =	sand.u32 $0xF, s29;
	s17 =	smul.u32 s21, s17  }
0x55: {  	[tilespmem:s19+$0x660 ss:$0x11] =	vst.msk $0xffff, v63;
	s18 =	sshll.u32 s18, $0x4;
	s20 =	sadd.s32 s5, s20;
	s21 =	sshll.u32 s30, $0x12  }
0x56: {  	[tilespmem:s19+$0x0 ss:$0x11] =	vst.msk $0xffff, v7;
	s18 =	sadd.s32 s18, s20;
	s31 =	sor.u32 $0x10, s21;
	s17 =	sand.u32 $0x3FFFFFFF, s17  }
0x57: {  	[hbm4b:s18+s31] =	stream.strided.scatter [tilespmem:s16], [sflag:$0x2], s17, s8, s31, $0x8;
	[tilespmem:$0x2100] =	vst v63  }
.LBB1_6:
0x58: {  	_ =	sfence.sel $0x180000  }
0x59: {  	s2 =	simm.s32 $0x1;
	[bflag:$0x0] =	sbarrier.arrive $0xFFFF  }
0x5a: {  	s31 =	simm.s32 $0x2;
	[sflag:s2] =	ssyncpa.u1 $0x1  }
0x5b: {  	[sflag:s31] =	ssyncpa.u1 $0x1  }
0x5c: {  	p0 =	sne.s32 s1, $0x0;
	_ =	strace $0x90000047  }
0x5d: {  	s0 =	sadd.s32 @!p0 $0x100000, s0;
	[bflag:$0x2] =	sbarrier.arrive $0xFFFF  }
0x5e: {  	[sflag:s0] =	ssyncadd.tile.s32 @!p0 $0x1;
	_ =	shalt  }
.Lfunc_end1:
_tile_overlayer_lowered:
.L_overlay_start_2:
0x5f: {  	(tag) =	ssettag $0x2  }
0x60: {  	s0 =	rddreg [dreg:$0x0];
	s2 =	stileid.u32  }
0x61: {  	s1 =	rddreg [dreg:$0x1];
	p0 =	sne.s32 s2, $0x0  }
0x62: {  	s3 =	rddreg [dreg:$0x2];
	[bflag:$0x3] =	sbarrier.arrive $0xFFFF;
	s2 =	simm.s32 @!p0 $0x1C01  }
0x63: {  	[timem:s3], [sflag:s2] =	dma.local @!p0 [hbm:s0], s1  }
0x64: {  	s0 =	simm.s32 @!p0 $0x1  }
0x65: {  	_ =	swait.ge @!p0 [sflag:s0], s1  }
0x66: {  	s1 =	ssub.s32 @!p0 $0x0, s1;
	[sflag:s0] =	ssyncset.done @!p0 $0x0  }
0x67: {  	[sflag:s0] =	ssyncadd.s32 @!p0 s1  }
0x68: {  	[bflag:$0x3] =	sbarrier.arrive $0xFFFF  }
0x69: {  	_ =	shalt  }

</sc_bundles>
